<compile_context>
chip_gen: v7x
topology: tpu7x:2x2x1
jax: 0.10.2.dev20260603
libtpu: 0.0.44.dev20260713+nightly
codegen_flags: <defaults>
</compile_context>

<pallas_src>
import functools

import jax
import jax.numpy as jnp
from jax import lax
from jax.experimental import pallas as pl
from jax.experimental.pallas import tpu as pltpu
from jax.experimental.pallas import tpu_sc as plsc

B = 512
C = 512
N = B * C
SMOOTH = 0.1
CONF = 1.0 - SMOOTH
FILL = SMOOTH / (N - 1)

LANES = 16
NC = 2
NS = 16
NW = NC * NS
PER_W = N // NW
UNROLL = 16
STEPS = PER_W // (LANES * UNROLL)
PART = NW * LANES

_mesh = plsc.VectorSubcoreMesh(core_axis_name="c", subcore_axis_name="s")


@functools.partial(
    pl.kernel,
    out_type=jax.ShapeDtypeStruct((4 * PART,), jnp.float32),
    mesh=_mesh,
    scratch_types=[
        pltpu.VMEM((PER_W,), jnp.float32),
        pltpu.VMEM((LANES,), jnp.int32),
        pltpu.VMEM((LANES,), jnp.float32),
        pltpu.VMEM((LANES,), jnp.float32),
        pltpu.VMEM((LANES,), jnp.float32),
        pltpu.VMEM((LANES,), jnp.float32),
        pltpu.SemaphoreType.DMA,
        pltpu.SemaphoreType.DMA,
        pltpu.SemaphoreType.DMA,
        pltpu.SemaphoreType.DMA,
        pltpu.SemaphoreType.DMA,
        pltpu.SemaphoreType.DMA,
        pltpu.SemaphoreType.DMA,
    ],
)
def _sc_partials(pred_hbm, tgt_hbm, out_hbm, slab, idxv, gvals,
                 stage_s, stage_m, stage_e,
                 gsem, sem1, sem2, osem1, osem2, osem3, osem4):
    wid = lax.axis_index("s") * NC + lax.axis_index("c")
    base = pl.multiple_of(wid * PER_W, 8)
    tbase = pl.multiple_of(wid * LANES, 8)
    half = PER_W // 2
    cp1 = pltpu.async_copy(
        pred_hbm.at[pl.ds(base, half)], slab.at[pl.ds(0, half)], sem1)
    cp2 = pltpu.async_copy(
        pred_hbm.at[pl.ds(base + half, half)], slab.at[pl.ds(half, half)],
        sem2)
    pltpu.sync_copy(tgt_hbm.at[pl.ds(tbase, LANES)], idxv)
    t = idxv[...]
    idxv[...] = lax.shift_left(lax.shift_right_logical(t, 7), 10) + (t & 127)
    gcp = pltpu.async_copy(pred_hbm.at[idxv], gvals, gsem)

    zero = jnp.zeros((LANES,), jnp.float32)
    lo = jnp.full((LANES,), jnp.finfo(jnp.float32).min, jnp.float32)
    hsteps = STEPS // 2

    def pass1(i, carry):
        ss, ms = carry
        off = pl.multiple_of(i * (LANES * UNROLL), 8)
        ss2, ms2 = [], []
        for j in range(UNROLL):
            v = slab[pl.ds(off + j * LANES, LANES)]
            ss2.append(ss[j] + v)
            ms2.append(jnp.maximum(ms[j], v))
        return tuple(ss2), tuple(ms2)

    cp1.wait()
    acc = plsc.parallel_loop(
        0, hsteps, carry=((zero,) * UNROLL, (lo,) * UNROLL))(pass1)
    cp2.wait()
    ss, ms = plsc.parallel_loop(hsteps, STEPS, carry=acc)(pass1)
    s = functools.reduce(jnp.add, ss)
    m = functools.reduce(jnp.maximum, ms)

    stage_s[...] = s
    ocp1 = pltpu.async_copy(stage_s, out_hbm.at[pl.ds(tbase, LANES)], osem1)
    stage_m[...] = m
    ocp2 = pltpu.async_copy(
        stage_m, out_hbm.at[pl.ds(PART + tbase, LANES)], osem2)

    def pass2(i, es):
        off = pl.multiple_of(i * (LANES * UNROLL), 8)
        return tuple(
            es[j] + jnp.exp(slab[pl.ds(off + j * LANES, LANES)] - m)
            for j in range(UNROLL))

    es = plsc.parallel_loop(0, STEPS, carry=(zero,) * UNROLL)(pass2)
    e = functools.reduce(jnp.add, es)
    gcp.wait()

    stage_e[...] = e
    ocp3 = pltpu.async_copy(
        stage_e, out_hbm.at[pl.ds(2 * PART + tbase, LANES)], osem3)
    ocp4 = pltpu.async_copy(
        gvals, out_hbm.at[pl.ds(3 * PART + tbase, LANES)], osem4)
    ocp1.wait()
    ocp2.wait()
    ocp3.wait()
    ocp4.wait()


def _combine_body(p_ref, out_ref):
    p = p_ref[...]
    sums = p[0:4]
    maxs = p[4:8]
    es = p[8:12]
    gs = p[12:16]
    T = jnp.sum(sums)
    M = jnp.max(maxs)
    E = jnp.sum(es * jnp.exp(maxs - M))
    L = M + jnp.log(E)
    G = jnp.sum(gs)
    loss = -(FILL * (T - N * L) + (CONF - FILL) * (G / B - L))
    out_ref[...] = jnp.full((1, 1), loss, jnp.float32)


_combine = pl.pallas_call(
    _combine_body,
    out_shape=jax.ShapeDtypeStruct((1, 1), jnp.float32),
)


def kernel(prediction, target):
    pred_tiles = prediction.reshape(64, 8, 4, 128).transpose(0, 2, 1, 3)
    parts = _sc_partials(pred_tiles.reshape(-1), target)
    out = _combine(parts.reshape(16, 128))
    return out[0, 0]

# --- scband reference (transcript-rebuilt; emitter-appended) ---
"""Pipeline reference for scband-label-smoothing-loss-46531675684979 (READ-ONLY COPY).

The authoritative reference and input builder live on the scoring server;
editing this copy changes nothing except your own understanding.
"""

import jax, jax.numpy as jnp
import numpy as np

SMOOTHING = 0.1
IGNORE_INDEX = -100


def setup_inputs(seed: int = 0) -> dict:
    key = jax.random.key(seed)
    k1, k2 = jax.random.split(key)
    prediction = jax.random.normal(k1, (512, 512), dtype=jnp.float32)
    # targets in [0, 512): guaranteed != ignore_index (-100), so final_mask is all-True
    target = jax.random.randint(k2, (512,), 0, 512, dtype=jnp.int32)
    return {"prediction": prediction, "target": target}


def reference(prediction, target):
    # final_mask = target != ignore_index  -> all True by construction in setup_inputs
    final_mask = target != IGNORE_INDEX
    # torch.masked_select(prediction[B,C], mask[B]) broadcasts mask along the
    # trailing dim (requires B == C); with an all-True mask this simply flattens
    # prediction row-major into a 1-D vector of length B*C.
    pred_flat = prediction.reshape(-1)
    tgt = target  # masked_select on target with all-True mask is identity
    # log_softmax over the flattened vector (dim=-1 of the 1-D tensor)
    logp = jax.nn.log_softmax(pred_flat, axis=-1)
    classes = logp.shape[-1]  # = B*C
    confidence = 1.0 - SMOOTHING
    # smooth_one_hot: fill with smoothing/(classes-1), scatter confidence at target
    true_dist = jnp.full((tgt.shape[0], classes), SMOOTHING / (classes - 1), dtype=jnp.float32)
    true_dist = true_dist.at[jnp.arange(tgt.shape[0]), tgt].set(confidence)
    true_dist = jax.lax.stop_gradient(true_dist)  # built under torch.no_grad()
    # use_kl = False branch: mean over batch of sum(-true_dist * logp)
    loss = jnp.mean(jnp.sum(-true_dist * logp[None, :], axis=-1))
    return loss

if __name__ == "__main__":
    import jax
    _d = setup_inputs()
    print(jax.jit(kernel)(*tuple(_d.values())))

</pallas_src>

<mosaic_0001>
#map = affine_map<(d0, d1) -> (0)>
module attributes {stable_mosaic.version = 14 : i64} {
  func.func @_sc_partials(%arg0: i32, %arg1: i32, %arg2: memref<262144xf32, #tpu.memory_space<hbm>>, %arg3: memref<512xi32, #tpu.memory_space<hbm>>, %arg4: memref<2048xf32, #tpu.memory_space<hbm>>, %arg5: memref<8192xf32, #tpu.memory_space<vmem>>, %arg6: memref<16xi32, #tpu.memory_space<vmem>>, %arg7: memref<16xf32, #tpu.memory_space<vmem>>, %arg8: memref<16xf32, #tpu.memory_space<vmem>>, %arg9: memref<16xf32, #tpu.memory_space<vmem>>, %arg10: memref<16xf32, #tpu.memory_space<vmem>>, %arg11: memref<!tpu.dma_semaphore, #tpu.memory_space<semaphore_mem>>, %arg12: memref<!tpu.dma_semaphore, #tpu.memory_space<semaphore_mem>>, %arg13: memref<!tpu.dma_semaphore, #tpu.memory_space<semaphore_mem>>, %arg14: memref<!tpu.dma_semaphore, #tpu.memory_space<semaphore_mem>>, %arg15: memref<!tpu.dma_semaphore, #tpu.memory_space<semaphore_mem>>, %arg16: memref<!tpu.dma_semaphore, #tpu.memory_space<semaphore_mem>>, %arg17: memref<!tpu.dma_semaphore, #tpu.memory_space<semaphore_mem>>) attributes {dimension_semantics = [#tpu.dimension_semantics<core_parallel>, #tpu.dimension_semantics<subcore_parallel>], iteration_bounds = array<i64: 2, 16>, scalar_prefetch = 0 : i64, scratch_operands = 13 : i64, tpu.core_type = #tpu.core_type<sc_vector_subcore>, window_params = [{transform_indices = #map}, {transform_indices = #map}, {transform_indices = #map}]} {
    %mul3A = arith.constant 2 : i32
    %mul3A_0 = arith.muli %arg1, %mul3A : i32
    %add3A = arith.addi %mul3A_0, %arg0 : i32
    %mul3A_1 = arith.constant 8192 : i32
    %mul3A_2 = arith.muli %add3A, %mul3A_1 : i32
    %multiple_of3A = tpu.assume_multiple %mul3A_2, 8 : i32
    %mul3A_3 = arith.constant 16 : i32
    %mul3A_4 = arith.muli %add3A, %mul3A_3 : i32
    %multiple_of3A_5 = tpu.assume_multiple %mul3A_4, 8 : i32
    %dma_start3A = arith.constant 0 : i32
    %dma_start3A_6 = tpu.memref_slice %arg5[%dma_start3A] : memref<8192xf32, #tpu.memory_space<vmem>> -> memref<4096xf32, #tpu.memory_space<vmem>>
    %dma_start3A_7 = tpu.memref_slice %arg2[%multiple_of3A] : memref<262144xf32, #tpu.memory_space<hbm>> -> memref<4096xf32, #tpu.memory_space<hbm>>
    %dma_start3A_8 = arith.constant 0 : i32
    %dma_start3A_9 = tpu.memref_slice %arg5[%dma_start3A_8] : memref<8192xf32, #tpu.memory_space<vmem>> -> memref<4096xf32, #tpu.memory_space<vmem>>
    %dma_start3A_10 = tpu.memref_slice %arg2[%multiple_of3A] : memref<262144xf32, #tpu.memory_space<hbm>> -> memref<4096xf32, #tpu.memory_space<hbm>>
    tpu.enqueue_dma source(%dma_start3A_10 : memref<4096xf32, #tpu.memory_space<hbm>>) target(%dma_start3A_9 : memref<4096xf32, #tpu.memory_space<vmem>>) target_semaphore(%arg12 : memref<!tpu.dma_semaphore, #tpu.memory_space<semaphore_mem>>)
    %add3A_11 = arith.constant 4096 : i32
    %add3A_12 = arith.addi %multiple_of3A, %add3A_11 : i32
    %dma_start3A_13 = arith.constant 4096 : i32
    %dma_start3A_14 = tpu.memref_slice %arg5[%dma_start3A_13] : memref<8192xf32, #tpu.memory_space<vmem>> -> memref<4096xf32, #tpu.memory_space<vmem>>
    %dma_start3A_15 = tpu.memref_slice %arg2[%add3A_12] : memref<262144xf32, #tpu.memory_space<hbm>> -> memref<4096xf32, #tpu.memory_space<hbm>>
    %dma_start3A_16 = arith.constant 4096 : i32
    %dma_start3A_17 = tpu.memref_slice %arg5[%dma_start3A_16] : memref<8192xf32, #tpu.memory_space<vmem>> -> memref<4096xf32, #tpu.memory_space<vmem>>
    %dma_start3A_18 = tpu.memref_slice %arg2[%add3A_12] : memref<262144xf32, #tpu.memory_space<hbm>> -> memref<4096xf32, #tpu.memory_space<hbm>>
    tpu.enqueue_dma source(%dma_start3A_18 : memref<4096xf32, #tpu.memory_space<hbm>>) target(%dma_start3A_17 : memref<4096xf32, #tpu.memory_space<vmem>>) target_semaphore(%arg13 : memref<!tpu.dma_semaphore, #tpu.memory_space<semaphore_mem>>)
    "tpu.region"() ({
      %run_scoped3A = tpu.sem_alloc : memref<!tpu.dma_semaphore, #tpu.memory_space<semaphore_mem>>
      %dma_start3A_138 = tpu.memref_slice %arg3[%multiple_of3A_5] : memref<512xi32, #tpu.memory_space<hbm>> -> memref<16xi32, #tpu.memory_space<hbm>>
      %dma_start3A_139 = tpu.memref_slice %arg3[%multiple_of3A_5] : memref<512xi32, #tpu.memory_space<hbm>> -> memref<16xi32, #tpu.memory_space<hbm>>
      tpu.enqueue_dma source(%dma_start3A_139 : memref<16xi32, #tpu.memory_space<hbm>>) target(%arg6 : memref<16xi32, #tpu.memory_space<vmem>>) target_semaphore(%run_scoped3A : memref<!tpu.dma_semaphore, #tpu.memory_space<semaphore_mem>>)
      %dma_wait3A_140 = tpu.memref_slice %arg3[%multiple_of3A_5] : memref<512xi32, #tpu.memory_space<hbm>> -> memref<16xi32, #tpu.memory_space<hbm>>
      %dma_wait3A_141 = tpu.memref_slice %arg3[%multiple_of3A_5] : memref<512xi32, #tpu.memory_space<hbm>> -> memref<16xi32, #tpu.memory_space<hbm>>
      tpu.wait_dma2 semaphore(%run_scoped3A : memref<!tpu.dma_semaphore, #tpu.memory_space<semaphore_mem>>) src(%dma_wait3A_141 : memref<16xi32, #tpu.memory_space<hbm>>) dst(%arg6 : memref<16xi32, #tpu.memory_space<vmem>>)
      tpu.yield
    }) : () -> ()
    %get3A = arith.constant 0 : index
    %get3A_19 = tpu.vector_load %arg6[%get3A] {strides = array<i32>} : memref<16xi32, #tpu.memory_space<vmem>>, vector<16xi32>,
    %get3A_20 = vector.shape_cast %get3A_19 : vector<16xi32> to vector<16xi32>
    %shift_right_logical3A = arith.constant 7 : i32
    %shift_right_logical3A_21 = vector.broadcast %shift_right_logical3A : i32 to vector<16xi32>
    %shift_right_logical3A_22 = arith.shrui %get3A_20, %shift_right_logical3A_21 : vector<16xi32>
    %shift_left3A = arith.constant 10 : i32
    %shift_left3A_23 = vector.broadcast %shift_left3A : i32 to vector<16xi32>
    %shift_left3A_24 = arith.shli %shift_right_logical3A_22, %shift_left3A_23 : vector<16xi32>
    %and3A = arith.constant 127 : i32
    %and3A_25 = vector.broadcast %and3A : i32 to vector<16xi32>
    %and3A_26 = arith.andi %get3A_20, %and3A_25 : vector<16xi32>
    %add3A_27 = arith.addi %shift_left3A_24, %and3A_26 : vector<16xi32>
    %swap3A = arith.constant 0 : index
    %swap3A_28 = tpu.vector_load %arg6[%swap3A] {strides = array<i32>} : memref<16xi32, #tpu.memory_space<vmem>>, vector<16xi32>,
    %swap3A_29 = vector.shape_cast %swap3A_28 : vector<16xi32> to vector<16xi32>
    %swap3A_30 = vector.shape_cast %add3A_27 : vector<16xi32> to vector<16xi32>
    tpu.vector_store %arg6[%swap3A], %swap3A_30 {strides = array<i32>} : memref<16xi32, #tpu.memory_space<vmem>>, vector<16xi32>,
    %dma_start3A_31 = arith.constant 0 : i32
    %dma_start3A_32 = tpu.memref_slice %arg2[%dma_start3A_31] : memref<262144xf32, #tpu.memory_space<hbm>> -> memref<262144xf32, #tpu.memory_space<hbm>>
    tpu.enqueue_indirect_dma source(%dma_start3A_32 : memref<262144xf32, #tpu.memory_space<hbm>>) target(%arg7 : memref<16xf32, #tpu.memory_space<vmem>>) offsets(%arg6 : memref<16xi32, #tpu.memory_space<vmem>>) semaphore(%arg11 : memref<!tpu.dma_semaphore, #tpu.memory_space<semaphore_mem>>)
    %broadcast_in_dim3A = arith.constant 0.000000e+00 : f32
    %broadcast_in_dim3A_33 = vector.broadcast %broadcast_in_dim3A : f32 to vector<16xf32>
    %broadcast_in_dim3A_34 = arith.constant -3.40282347E+38 : f32
    %broadcast_in_dim3A_35 = vector.broadcast %broadcast_in_dim3A_34 : f32 to vector<16xf32>
    %dma_wait3A = arith.constant 0 : i32
    %dma_wait3A_36 = tpu.memref_slice %arg5[%dma_wait3A] : memref<8192xf32, #tpu.memory_space<vmem>> -> memref<4096xf32, #tpu.memory_space<vmem>>
    %dma_wait3A_37 = tpu.memref_slice %arg2[%multiple_of3A] : memref<262144xf32, #tpu.memory_space<hbm>> -> memref<4096xf32, #tpu.memory_space<hbm>>
    %dma_wait3A_38 = arith.constant 0 : i32
    %dma_wait3A_39 = tpu.memref_slice %arg5[%dma_wait3A_38] : memref<8192xf32, #tpu.memory_space<vmem>> -> memref<4096xf32, #tpu.memory_space<vmem>>
    %dma_wait3A_40 = tpu.memref_slice %arg2[%multiple_of3A] : memref<262144xf32, #tpu.memory_space<hbm>> -> memref<4096xf32, #tpu.memory_space<hbm>>
    tpu.wait_dma2 semaphore(%arg12 : memref<!tpu.dma_semaphore, #tpu.memory_space<semaphore_mem>>) src(%dma_wait3A_40 : memref<4096xf32, #tpu.memory_space<hbm>>) dst(%dma_wait3A_39 : memref<4096xf32, #tpu.memory_space<vmem>>)
    %parallel_loop3A = arith.constant 0 : i32
    %parallel_loop3A_41 = arith.constant 16 : i32
    %parallel_loop3A_42 = arith.constant 1 : i32
    %parallel_loop3A_43:32 = scf.for %parallel_loop3A_138 = %parallel_loop3A to %parallel_loop3A_41 step %parallel_loop3A_42 iter_args(%parallel_loop3A_139 = %broadcast_in_dim3A_33, %parallel_loop3A_140 = %broadcast_in_dim3A_33, %parallel_loop3A_141 = %broadcast_in_dim3A_33, %parallel_loop3A_142 = %broadcast_in_dim3A_33, %parallel_loop3A_143 = %broadcast_in_dim3A_33, %parallel_loop3A_144 = %broadcast_in_dim3A_33, %parallel_loop3A_145 = %broadcast_in_dim3A_33, %parallel_loop3A_146 = %broadcast_in_dim3A_33, %parallel_loop3A_147 = %broadcast_in_dim3A_33, %parallel_loop3A_148 = %broadcast_in_dim3A_33, %parallel_loop3A_149 = %broadcast_in_dim3A_33, %parallel_loop3A_150 = %broadcast_in_dim3A_33, %parallel_loop3A_151 = %broadcast_in_dim3A_33, %parallel_loop3A_152 = %broadcast_in_dim3A_33, %parallel_loop3A_153 = %broadcast_in_dim3A_33, %parallel_loop3A_154 = %broadcast_in_dim3A_33, %parallel_loop3A_155 = %broadcast_in_dim3A_35, %parallel_loop3A_156 = %broadcast_in_dim3A_35, %parallel_loop3A_157 = %broadcast_in_dim3A_35, %parallel_loop3A_158 = %broadcast_in_dim3A_35, %parallel_loop3A_159 = %broadcast_in_dim3A_35, %parallel_loop3A_160 = %broadcast_in_dim3A_35, %parallel_loop3A_161 = %broadcast_in_dim3A_35, %parallel_loop3A_162 = %broadcast_in_dim3A_35, %parallel_loop3A_163 = %broadcast_in_dim3A_35, %parallel_loop3A_164 = %broadcast_in_dim3A_35, %parallel_loop3A_165 = %broadcast_in_dim3A_35, %parallel_loop3A_166 = %broadcast_in_dim3A_35, %parallel_loop3A_167 = %broadcast_in_dim3A_35, %parallel_loop3A_168 = %broadcast_in_dim3A_35, %parallel_loop3A_169 = %broadcast_in_dim3A_35, %parallel_loop3A_170 = %broadcast_in_dim3A_35) -> (vector<16xf32>, vector<16xf32>, vector<16xf32>, vector<16xf32>, vector<16xf32>, vector<16xf32>, vector<16xf32>, vector<16xf32>, vector<16xf32>, vector<16xf32>, vector<16xf32>, vector<16xf32>, vector<16xf32>, vector<16xf32>, vector<16xf32>, vector<16xf32>, vector<16xf32>, vector<16xf32>, vector<16xf32>, vector<16xf32>, vector<16xf32>, vector<16xf32>, vector<16xf32>, vector<16xf32>, vector<16xf32>, vector<16xf32>, vector<16xf32>, vector<16xf32>, vector<16xf32>, vector<16xf32>, vector<16xf32>, vector<16xf32>)  : i32 {
      %parallel_loop3A_171 = arith.constant 256 : i32
      %parallel_loop3A_172 = arith.muli %parallel_loop3A_138, %parallel_loop3A_171 : i32
      %parallel_loop3A_173 = tpu.assume_multiple %parallel_loop3A_172, 8 : i32
      %parallel_loop3A_174 = arith.constant 0 : i32
      %parallel_loop3A_175 = arith.addi %parallel_loop3A_173, %parallel_loop3A_174 : i32
      %parallel_loop3A_176 = arith.index_cast %parallel_loop3A_175 : i32 to index
      %parallel_loop3A_177 = tpu.vector_load %arg5[%parallel_loop3A_176] {strides = array<i32>} : memref<8192xf32, #tpu.memory_space<vmem>>, vector<16xf32>,
      %parallel_loop3A_178 = vector.shape_cast %parallel_loop3A_177 : vector<16xf32> to vector<16xf32>
      %parallel_loop3A_179 = arith.addf %parallel_loop3A_139, %parallel_loop3A_178 : vector<16xf32>
      %parallel_loop3A_180 = arith.maximumf %parallel_loop3A_155, %parallel_loop3A_178 : vector<16xf32>
      %parallel_loop3A_181 = arith.constant 16 : i32
      %parallel_loop3A_182 = arith.addi %parallel_loop3A_173, %parallel_loop3A_181 : i32
      %parallel_loop3A_183 = arith.index_cast %parallel_loop3A_182 : i32 to index
      %parallel_loop3A_184 = tpu.vector_load %arg5[%parallel_loop3A_183] {strides = array<i32>} : memref<8192xf32, #tpu.memory_space<vmem>>, vector<16xf32>,
      %parallel_loop3A_185 = vector.shape_cast %parallel_loop3A_184 : vector<16xf32> to vector<16xf32>
      %parallel_loop3A_186 = arith.addf %parallel_loop3A_140, %parallel_loop3A_185 : vector<16xf32>
      %parallel_loop3A_187 = arith.maximumf %parallel_loop3A_156, %parallel_loop3A_185 : vector<16xf32>
      %parallel_loop3A_188 = arith.constant 32 : i32
      %parallel_loop3A_189 = arith.addi %parallel_loop3A_173, %parallel_loop3A_188 : i32
      %parallel_loop3A_190 = arith.index_cast %parallel_loop3A_189 : i32 to index
      %parallel_loop3A_191 = tpu.vector_load %arg5[%parallel_loop3A_190] {strides = array<i32>} : memref<8192xf32, #tpu.memory_space<vmem>>, vector<16xf32>,
      %parallel_loop3A_192 = vector.shape_cast %parallel_loop3A_191 : vector<16xf32> to vector<16xf32>
      %parallel_loop3A_193 = arith.addf %parallel_loop3A_141, %parallel_loop3A_192 : vector<16xf32>
      %parallel_loop3A_194 = arith.maximumf %parallel_loop3A_157, %parallel_loop3A_192 : vector<16xf32>
      %parallel_loop3A_195 = arith.constant 48 : i32
      %parallel_loop3A_196 = arith.addi %parallel_loop3A_173, %parallel_loop3A_195 : i32
      %parallel_loop3A_197 = arith.index_cast %parallel_loop3A_196 : i32 to index
      %parallel_loop3A_198 = tpu.vector_load %arg5[%parallel_loop3A_197] {strides = array<i32>} : memref<8192xf32, #tpu.memory_space<vmem>>, vector<16xf32>,
      %parallel_loop3A_199 = vector.shape_cast %parallel_loop3A_198 : vector<16xf32> to vector<16xf32>
      %parallel_loop3A_200 = arith.addf %parallel_loop3A_142, %parallel_loop3A_199 : vector<16xf32>
      %parallel_loop3A_201 = arith.maximumf %parallel_loop3A_158, %parallel_loop3A_199 : vector<16xf32>
      %parallel_loop3A_202 = arith.constant 64 : i32
      %parallel_loop3A_203 = arith.addi %parallel_loop3A_173, %parallel_loop3A_202 : i32
      %parallel_loop3A_204 = arith.index_cast %parallel_loop3A_203 : i32 to index
      %parallel_loop3A_205 = tpu.vector_load %arg5[%parallel_loop3A_204] {strides = array<i32>} : memref<8192xf32, #tpu.memory_space<vmem>>, vector<16xf32>,
      %parallel_loop3A_206 = vector.shape_cast %parallel_loop3A_205 : vector<16xf32> to vector<16xf32>
      %parallel_loop3A_207 = arith.addf %parallel_loop3A_143, %parallel_loop3A_206 : vector<16xf32>
      %parallel_loop3A_208 = arith.maximumf %parallel_loop3A_159, %parallel_loop3A_206 : vector<16xf32>
      %parallel_loop3A_209 = arith.constant 80 : i32
      %parallel_loop3A_210 = arith.addi %parallel_loop3A_173, %parallel_loop3A_209 : i32
      %parallel_loop3A_211 = arith.index_cast %parallel_loop3A_210 : i32 to index
      %parallel_loop3A_212 = tpu.vector_load %arg5[%parallel_loop3A_211] {strides = array<i32>} : memref<8192xf32, #tpu.memory_space<vmem>>, vector<16xf32>,
      %parallel_loop3A_213 = vector.shape_cast %parallel_loop3A_212 : vector<16xf32> to vector<16xf32>
      %parallel_loop3A_214 = arith.addf %parallel_loop3A_144, %parallel_loop3A_213 : vector<16xf32>
      %parallel_loop3A_215 = arith.maximumf %parallel_loop3A_160, %parallel_loop3A_213 : vector<16xf32>
      %parallel_loop3A_216 = arith.constant 96 : i32
      %parallel_loop3A_217 = arith.addi %parallel_loop3A_173, %parallel_loop3A_216 : i32
      %parallel_loop3A_218 = arith.index_cast %parallel_loop3A_217 : i32 to index
      %parallel_loop3A_219 = tpu.vector_load %arg5[%parallel_loop3A_218] {strides = array<i32>} : memref<8192xf32, #tpu.memory_space<vmem>>, vector<16xf32>,
      %parallel_loop3A_220 = vector.shape_cast %parallel_loop3A_219 : vector<16xf32> to vector<16xf32>
      %parallel_loop3A_221 = arith.addf %parallel_loop3A_145, %parallel_loop3A_220 : vector<16xf32>
      %parallel_loop3A_222 = arith.maximumf %parallel_loop3A_161, %parallel_loop3A_220 : vector<16xf32>
      %parallel_loop3A_223 = arith.constant 112 : i32
      %parallel_loop3A_224 = arith.addi %parallel_loop3A_173, %parallel_loop3A_223 : i32
      %parallel_loop3A_225 = arith.index_cast %parallel_loop3A_224 : i32 to index
      %parallel_loop3A_226 = tpu.vector_load %arg5[%parallel_loop3A_225] {strides = array<i32>} : memref<8192xf32, #tpu.memory_space<vmem>>, vector<16xf32>,
      %parallel_loop3A_227 = vector.shape_cast %parallel_loop3A_226 : vector<16xf32> to vector<16xf32>
      %parallel_loop3A_228 = arith.addf %parallel_loop3A_146, %parallel_loop3A_227 : vector<16xf32>
      %parallel_loop3A_229 = arith.maximumf %parallel_loop3A_162, %parallel_loop3A_227 : vector<16xf32>
      %parallel_loop3A_230 = arith.constant 128 : i32
      %parallel_loop3A_231 = arith.addi %parallel_loop3A_173, %parallel_loop3A_230 : i32
      %parallel_loop3A_232 = arith.index_cast %parallel_loop3A_231 : i32 to index
      %parallel_loop3A_233 = tpu.vector_load %arg5[%parallel_loop3A_232] {strides = array<i32>} : memref<8192xf32, #tpu.memory_space<vmem>>, vector<16xf32>,
      %parallel_loop3A_234 = vector.shape_cast %parallel_loop3A_233 : vector<16xf32> to vector<16xf32>
      %parallel_loop3A_235 = arith.addf %parallel_loop3A_147, %parallel_loop3A_234 : vector<16xf32>
      %parallel_loop3A_236 = arith.maximumf %parallel_loop3A_163, %parallel_loop3A_234 : vector<16xf32>
      %parallel_loop3A_237 = arith.constant 144 : i32
      %parallel_loop3A_238 = arith.addi %parallel_loop3A_173, %parallel_loop3A_237 : i32
      %parallel_loop3A_239 = arith.index_cast %parallel_loop3A_238 : i32 to index
      %parallel_loop3A_240 = tpu.vector_load %arg5[%parallel_loop3A_239] {strides = array<i32>} : memref<8192xf32, #tpu.memory_space<vmem>>, vector<16xf32>,
      %parallel_loop3A_241 = vector.shape_cast %parallel_loop3A_240 : vector<16xf32> to vector<16xf32>
      %parallel_loop3A_242 = arith.addf %parallel_loop3A_148, %parallel_loop3A_241 : vector<16xf32>
      %parallel_loop3A_243 = arith.maximumf %parallel_loop3A_164, %parallel_loop3A_241 : vector<16xf32>
      %parallel_loop3A_244 = arith.constant 160 : i32
      %parallel_loop3A_245 = arith.addi %parallel_loop3A_173, %parallel_loop3A_244 : i32
      %parallel_loop3A_246 = arith.index_cast %parallel_loop3A_245 : i32 to index
      %parallel_loop3A_247 = tpu.vector_load %arg5[%parallel_loop3A_246] {strides = array<i32>} : memref<8192xf32, #tpu.memory_space<vmem>>, vector<16xf32>,
      %parallel_loop3A_248 = vector.shape_cast %parallel_loop3A_247 : vector<16xf32> to vector<16xf32>
      %parallel_loop3A_249 = arith.addf %parallel_loop3A_149, %parallel_loop3A_248 : vector<16xf32>
      %parallel_loop3A_250 = arith.maximumf %parallel_loop3A_165, %parallel_loop3A_248 : vector<16xf32>
      %parallel_loop3A_251 = arith.constant 176 : i32
      %parallel_loop3A_252 = arith.addi %parallel_loop3A_173, %parallel_loop3A_251 : i32
      %parallel_loop3A_253 = arith.index_cast %parallel_loop3A_252 : i32 to index
      %parallel_loop3A_254 = tpu.vector_load %arg5[%parallel_loop3A_253] {strides = array<i32>} : memref<8192xf32, #tpu.memory_space<vmem>>, vector<16xf32>,
      %parallel_loop3A_255 = vector.shape_cast %parallel_loop3A_254 : vector<16xf32> to vector<16xf32>
      %parallel_loop3A_256 = arith.addf %parallel_loop3A_150, %parallel_loop3A_255 : vector<16xf32>
      %parallel_loop3A_257 = arith.maximumf %parallel_loop3A_166, %parallel_loop3A_255 : vector<16xf32>
      %parallel_loop3A_258 = arith.constant 192 : i32
      %parallel_loop3A_259 = arith.addi %parallel_loop3A_173, %parallel_loop3A_258 : i32
      %parallel_loop3A_260 = arith.index_cast %parallel_loop3A_259 : i32 to index
      %parallel_loop3A_261 = tpu.vector_load %arg5[%parallel_loop3A_260] {strides = array<i32>} : memref<8192xf32, #tpu.memory_space<vmem>>, vector<16xf32>,
      %parallel_loop3A_262 = vector.shape_cast %parallel_loop3A_261 : vector<16xf32> to vector<16xf32>
      %parallel_loop3A_263 = arith.addf %parallel_loop3A_151, %parallel_loop3A_262 : vector<16xf32>
      %parallel_loop3A_264 = arith.maximumf %parallel_loop3A_167, %parallel_loop3A_262 : vector<16xf32>
      %parallel_loop3A_265 = arith.constant 208 : i32
      %parallel_loop3A_266 = arith.addi %parallel_loop3A_173, %parallel_loop3A_265 : i32
      %parallel_loop3A_267 = arith.index_cast %parallel_loop3A_266 : i32 to index
      %parallel_loop3A_268 = tpu.vector_load %arg5[%parallel_loop3A_267] {strides = array<i32>} : memref<8192xf32, #tpu.memory_space<vmem>>, vector<16xf32>,
      %parallel_loop3A_269 = vector.shape_cast %parallel_loop3A_268 : vector<16xf32> to vector<16xf32>
      %parallel_loop3A_270 = arith.addf %parallel_loop3A_152, %parallel_loop3A_269 : vector<16xf32>
      %parallel_loop3A_271 = arith.maximumf %parallel_loop3A_168, %parallel_loop3A_269 : vector<16xf32>
      %parallel_loop3A_272 = arith.constant 224 : i32
      %parallel_loop3A_273 = arith.addi %parallel_loop3A_173, %parallel_loop3A_272 : i32
      %parallel_loop3A_274 = arith.index_cast %parallel_loop3A_273 : i32 to index
      %parallel_loop3A_275 = tpu.vector_load %arg5[%parallel_loop3A_274] {strides = array<i32>} : memref<8192xf32, #tpu.memory_space<vmem>>, vector<16xf32>,
      %parallel_loop3A_276 = vector.shape_cast %parallel_loop3A_275 : vector<16xf32> to vector<16xf32>
      %parallel_loop3A_277 = arith.addf %parallel_loop3A_153, %parallel_loop3A_276 : vector<16xf32>
      %parallel_loop3A_278 = arith.maximumf %parallel_loop3A_169, %parallel_loop3A_276 : vector<16xf32>
      %parallel_loop3A_279 = arith.constant 240 : i32
      %parallel_loop3A_280 = arith.addi %parallel_loop3A_173, %parallel_loop3A_279 : i32
      %parallel_loop3A_281 = arith.index_cast %parallel_loop3A_280 : i32 to index
      %parallel_loop3A_282 = tpu.vector_load %arg5[%parallel_loop3A_281] {strides = array<i32>} : memref<8192xf32, #tpu.memory_space<vmem>>, vector<16xf32>,
      %parallel_loop3A_283 = vector.shape_cast %parallel_loop3A_282 : vector<16xf32> to vector<16xf32>
      %parallel_loop3A_284 = arith.addf %parallel_loop3A_154, %parallel_loop3A_283 : vector<16xf32>
      %parallel_loop3A_285 = arith.maximumf %parallel_loop3A_170, %parallel_loop3A_283 : vector<16xf32>
      scf.yield %parallel_loop3A_179, %parallel_loop3A_186, %parallel_loop3A_193, %parallel_loop3A_200, %parallel_loop3A_207, %parallel_loop3A_214, %parallel_loop3A_221, %parallel_loop3A_228, %parallel_loop3A_235, %parallel_loop3A_242, %parallel_loop3A_249, %parallel_loop3A_256, %parallel_loop3A_263, %parallel_loop3A_270, %parallel_loop3A_277, %parallel_loop3A_284, %parallel_loop3A_180, %parallel_loop3A_187, %parallel_loop3A_194, %parallel_loop3A_201, %parallel_loop3A_208, %parallel_loop3A_215, %parallel_loop3A_222, %parallel_loop3A_229, %parallel_loop3A_236, %parallel_loop3A_243, %parallel_loop3A_250, %parallel_loop3A_257, %parallel_loop3A_264, %parallel_loop3A_271, %parallel_loop3A_278, %parallel_loop3A_285 : vector<16xf32>, vector<16xf32>, vector<16xf32>, vector<16xf32>, vector<16xf32>, vector<16xf32>, vector<16xf32>, vector<16xf32>, vector<16xf32>, vector<16xf32>, vector<16xf32>, vector<16xf32>, vector<16xf32>, vector<16xf32>, vector<16xf32>, vector<16xf32>, vector<16xf32>, vector<16xf32>, vector<16xf32>, vector<16xf32>, vector<16xf32>, vector<16xf32>, vector<16xf32>, vector<16xf32>, vector<16xf32>, vector<16xf32>, vector<16xf32>, vector<16xf32>, vector<16xf32>, vector<16xf32>, vector<16xf32>, vector<16xf32>
    } {sc.loop_unroll_factor = 1 : i64, sc.parallel_access}
    %dma_wait3A_44 = arith.constant 4096 : i32
    %dma_wait3A_45 = tpu.memref_slice %arg5[%dma_wait3A_44] : memref<8192xf32, #tpu.memory_space<vmem>> -> memref<4096xf32, #tpu.memory_space<vmem>>
    %dma_wait3A_46 = tpu.memref_slice %arg2[%add3A_12] : memref<262144xf32, #tpu.memory_space<hbm>> -> memref<4096xf32, #tpu.memory_space<hbm>>
    %dma_wait3A_47 = arith.constant 4096 : i32
    %dma_wait3A_48 = tpu.memref_slice %arg5[%dma_wait3A_47] : memref<8192xf32, #tpu.memory_space<vmem>> -> memref<4096xf32, #tpu.memory_space<vmem>>
    %dma_wait3A_49 = tpu.memref_slice %arg2[%add3A_12] : memref<262144xf32, #tpu.memory_space<hbm>> -> memref<4096xf32, #tpu.memory_space<hbm>>
    tpu.wait_dma2 semaphore(%arg13 : memref<!tpu.dma_semaphore, #tpu.memory_space<semaphore_mem>>) src(%dma_wait3A_49 : memref<4096xf32, #tpu.memory_space<hbm>>) dst(%dma_wait3A_48 : memref<4096xf32, #tpu.memory_space<vmem>>)
    %parallel_loop3A_50 = arith.constant 16 : i32
    %parallel_loop3A_51 = arith.constant 32 : i32
    %parallel_loop3A_52 = arith.constant 1 : i32
    %parallel_loop3A_53:32 = scf.for %parallel_loop3A_138 = %parallel_loop3A_50 to %parallel_loop3A_51 step %parallel_loop3A_52 iter_args(%parallel_loop3A_139 = %parallel_loop3A_43#0, %parallel_loop3A_140 = %parallel_loop3A_43#1, %parallel_loop3A_141 = %parallel_loop3A_43#2, %parallel_loop3A_142 = %parallel_loop3A_43#3, %parallel_loop3A_143 = %parallel_loop3A_43#4, %parallel_loop3A_144 = %parallel_loop3A_43#5, %parallel_loop3A_145 = %parallel_loop3A_43#6, %parallel_loop3A_146 = %parallel_loop3A_43#7, %parallel_loop3A_147 = %parallel_loop3A_43#8, %parallel_loop3A_148 = %parallel_loop3A_43#9, %parallel_loop3A_149 = %parallel_loop3A_43#10, %parallel_loop3A_150 = %parallel_loop3A_43#11, %parallel_loop3A_151 = %parallel_loop3A_43#12, %parallel_loop3A_152 = %parallel_loop3A_43#13, %parallel_loop3A_153 = %parallel_loop3A_43#14, %parallel_loop3A_154 = %parallel_loop3A_43#15, %parallel_loop3A_155 = %parallel_loop3A_43#16, %parallel_loop3A_156 = %parallel_loop3A_43#17, %parallel_loop3A_157 = %parallel_loop3A_43#18, %parallel_loop3A_158 = %parallel_loop3A_43#19, %parallel_loop3A_159 = %parallel_loop3A_43#20, %parallel_loop3A_160 = %parallel_loop3A_43#21, %parallel_loop3A_161 = %parallel_loop3A_43#22, %parallel_loop3A_162 = %parallel_loop3A_43#23, %parallel_loop3A_163 = %parallel_loop3A_43#24, %parallel_loop3A_164 = %parallel_loop3A_43#25, %parallel_loop3A_165 = %parallel_loop3A_43#26, %parallel_loop3A_166 = %parallel_loop3A_43#27, %parallel_loop3A_167 = %parallel_loop3A_43#28, %parallel_loop3A_168 = %parallel_loop3A_43#29, %parallel_loop3A_169 = %parallel_loop3A_43#30, %parallel_loop3A_170 = %parallel_loop3A_43#31) -> (vector<16xf32>, vector<16xf32>, vector<16xf32>, vector<16xf32>, vector<16xf32>, vector<16xf32>, vector<16xf32>, vector<16xf32>, vector<16xf32>, vector<16xf32>, vector<16xf32>, vector<16xf32>, vector<16xf32>, vector<16xf32>, vector<16xf32>, vector<16xf32>, vector<16xf32>, vector<16xf32>, vector<16xf32>, vector<16xf32>, vector<16xf32>, vector<16xf32>, vector<16xf32>, vector<16xf32>, vector<16xf32>, vector<16xf32>, vector<16xf32>, vector<16xf32>, vector<16xf32>, vector<16xf32>, vector<16xf32>, vector<16xf32>)  : i32 {
      %parallel_loop3A_171 = arith.constant 256 : i32
      %parallel_loop3A_172 = arith.muli %parallel_loop3A_138, %parallel_loop3A_171 : i32
      %parallel_loop3A_173 = tpu.assume_multiple %parallel_loop3A_172, 8 : i32
      %parallel_loop3A_174 = arith.constant 0 : i32
      %parallel_loop3A_175 = arith.addi %parallel_loop3A_173, %parallel_loop3A_174 : i32
      %parallel_loop3A_176 = arith.index_cast %parallel_loop3A_175 : i32 to index
      %parallel_loop3A_177 = tpu.vector_load %arg5[%parallel_loop3A_176] {strides = array<i32>} : memref<8192xf32, #tpu.memory_space<vmem>>, vector<16xf32>,
      %parallel_loop3A_178 = vector.shape_cast %parallel_loop3A_177 : vector<16xf32> to vector<16xf32>
      %parallel_loop3A_179 = arith.addf %parallel_loop3A_139, %parallel_loop3A_178 : vector<16xf32>
      %parallel_loop3A_180 = arith.maximumf %parallel_loop3A_155, %parallel_loop3A_178 : vector<16xf32>
      %parallel_loop3A_181 = arith.constant 16 : i32
      %parallel_loop3A_182 = arith.addi %parallel_loop3A_173, %parallel_loop3A_181 : i32
      %parallel_loop3A_183 = arith.index_cast %parallel_loop3A_182 : i32 to index
      %parallel_loop3A_184 = tpu.vector_load %arg5[%parallel_loop3A_183] {strides = array<i32>} : memref<8192xf32, #tpu.memory_space<vmem>>, vector<16xf32>,
      %parallel_loop3A_185 = vector.shape_cast %parallel_loop3A_184 : vector<16xf32> to vector<16xf32>
      %parallel_loop3A_186 = arith.addf %parallel_loop3A_140, %parallel_loop3A_185 : vector<16xf32>
      %parallel_loop3A_187 = arith.maximumf %parallel_loop3A_156, %parallel_loop3A_185 : vector<16xf32>
      %parallel_loop3A_188 = arith.constant 32 : i32
      %parallel_loop3A_189 = arith.addi %parallel_loop3A_173, %parallel_loop3A_188 : i32
      %parallel_loop3A_190 = arith.index_cast %parallel_loop3A_189 : i32 to index
      %parallel_loop3A_191 = tpu.vector_load %arg5[%parallel_loop3A_190] {strides = array<i32>} : memref<8192xf32, #tpu.memory_space<vmem>>, vector<16xf32>,
      %parallel_loop3A_192 = vector.shape_cast %parallel_loop3A_191 : vector<16xf32> to vector<16xf32>
      %parallel_loop3A_193 = arith.addf %parallel_loop3A_141, %parallel_loop3A_192 : vector<16xf32>
      %parallel_loop3A_194 = arith.maximumf %parallel_loop3A_157, %parallel_loop3A_192 : vector<16xf32>
      %parallel_loop3A_195 = arith.constant 48 : i32
      %parallel_loop3A_196 = arith.addi %parallel_loop3A_173, %parallel_loop3A_195 : i32
      %parallel_loop3A_197 = arith.index_cast %parallel_loop3A_196 : i32 to index
      %parallel_loop3A_198 = tpu.vector_load %arg5[%parallel_loop3A_197] {strides = array<i32>} : memref<8192xf32, #tpu.memory_space<vmem>>, vector<16xf32>,
      %parallel_loop3A_199 = vector.shape_cast %parallel_loop3A_198 : vector<16xf32> to vector<16xf32>
      %parallel_loop3A_200 = arith.addf %parallel_loop3A_142, %parallel_loop3A_199 : vector<16xf32>
      %parallel_loop3A_201 = arith.maximumf %parallel_loop3A_158, %parallel_loop3A_199 : vector<16xf32>
      %parallel_loop3A_202 = arith.constant 64 : i32
      %parallel_loop3A_203 = arith.addi %parallel_loop3A_173, %parallel_loop3A_202 : i32
      %parallel_loop3A_204 = arith.index_cast %parallel_loop3A_203 : i32 to index
      %parallel_loop3A_205 = tpu.vector_load %arg5[%parallel_loop3A_204] {strides = array<i32>} : memref<8192xf32, #tpu.memory_space<vmem>>, vector<16xf32>,
      %parallel_loop3A_206 = vector.shape_cast %parallel_loop3A_205 : vector<16xf32> to vector<16xf32>
      %parallel_loop3A_207 = arith.addf %parallel_loop3A_143, %parallel_loop3A_206 : vector<16xf32>
      %parallel_loop3A_208 = arith.maximumf %parallel_loop3A_159, %parallel_loop3A_206 : vector<16xf32>
      %parallel_loop3A_209 = arith.constant 80 : i32
      %parallel_loop3A_210 = arith.addi %parallel_loop3A_173, %parallel_loop3A_209 : i32
      %parallel_loop3A_211 = arith.index_cast %parallel_loop3A_210 : i32 to index
      %parallel_loop3A_212 = tpu.vector_load %arg5[%parallel_loop3A_211] {strides = array<i32>} : memref<8192xf32, #tpu.memory_space<vmem>>, vector<16xf32>,
      %parallel_loop3A_213 = vector.shape_cast %parallel_loop3A_212 : vector<16xf32> to vector<16xf32>
      %parallel_loop3A_214 = arith.addf %parallel_loop3A_144, %parallel_loop3A_213 : vector<16xf32>
      %parallel_loop3A_215 = arith.maximumf %parallel_loop3A_160, %parallel_loop3A_213 : vector<16xf32>
      %parallel_loop3A_216 = arith.constant 96 : i32
      %parallel_loop3A_217 = arith.addi %parallel_loop3A_173, %parallel_loop3A_216 : i32
      %parallel_loop3A_218 = arith.index_cast %parallel_loop3A_217 : i32 to index
      %parallel_loop3A_219 = tpu.vector_load %arg5[%parallel_loop3A_218] {strides = array<i32>} : memref<8192xf32, #tpu.memory_space<vmem>>, vector<16xf32>,
      %parallel_loop3A_220 = vector.shape_cast %parallel_loop3A_219 : vector<16xf32> to vector<16xf32>
      %parallel_loop3A_221 = arith.addf %parallel_loop3A_145, %parallel_loop3A_220 : vector<16xf32>
      %parallel_loop3A_222 = arith.maximumf %parallel_loop3A_161, %parallel_loop3A_220 : vector<16xf32>
      %parallel_loop3A_223 = arith.constant 112 : i32
      %parallel_loop3A_224 = arith.addi %parallel_loop3A_173, %parallel_loop3A_223 : i32
      %parallel_loop3A_225 = arith.index_cast %parallel_loop3A_224 : i32 to index
      %parallel_loop3A_226 = tpu.vector_load %arg5[%parallel_loop3A_225] {strides = array<i32>} : memref<8192xf32, #tpu.memory_space<vmem>>, vector<16xf32>,
      %parallel_loop3A_227 = vector.shape_cast %parallel_loop3A_226 : vector<16xf32> to vector<16xf32>
      %parallel_loop3A_228 = arith.addf %parallel_loop3A_146, %parallel_loop3A_227 : vector<16xf32>
      %parallel_loop3A_229 = arith.maximumf %parallel_loop3A_162, %parallel_loop3A_227 : vector<16xf32>
      %parallel_loop3A_230 = arith.constant 128 : i32
      %parallel_loop3A_231 = arith.addi %parallel_loop3A_173, %parallel_loop3A_230 : i32
      %parallel_loop3A_232 = arith.index_cast %parallel_loop3A_231 : i32 to index
      %parallel_loop3A_233 = tpu.vector_load %arg5[%parallel_loop3A_232] {strides = array<i32>} : memref<8192xf32, #tpu.memory_space<vmem>>, vector<16xf32>,
      %parallel_loop3A_234 = vector.shape_cast %parallel_loop3A_233 : vector<16xf32> to vector<16xf32>
      %parallel_loop3A_235 = arith.addf %parallel_loop3A_147, %parallel_loop3A_234 : vector<16xf32>
      %parallel_loop3A_236 = arith.maximumf %parallel_loop3A_163, %parallel_loop3A_234 : vector<16xf32>
      %parallel_loop3A_237 = arith.constant 144 : i32
      %parallel_loop3A_238 = arith.addi %parallel_loop3A_173, %parallel_loop3A_237 : i32
      %parallel_loop3A_239 = arith.index_cast %parallel_loop3A_238 : i32 to index
      %parallel_loop3A_240 = tpu.vector_load %arg5[%parallel_loop3A_239] {strides = array<i32>} : memref<8192xf32, #tpu.memory_space<vmem>>, vector<16xf32>,
      %parallel_loop3A_241 = vector.shape_cast %parallel_loop3A_240 : vector<16xf32> to vector<16xf32>
      %parallel_loop3A_242 = arith.addf %parallel_loop3A_148, %parallel_loop3A_241 : vector<16xf32>
      %parallel_loop3A_243 = arith.maximumf %parallel_loop3A_164, %parallel_loop3A_241 : vector<16xf32>
      %parallel_loop3A_244 = arith.constant 160 : i32
      %parallel_loop3A_245 = arith.addi %parallel_loop3A_173, %parallel_loop3A_244 : i32
      %parallel_loop3A_246 = arith.index_cast %parallel_loop3A_245 : i32 to index
      %parallel_loop3A_247 = tpu.vector_load %arg5[%parallel_loop3A_246] {strides = array<i32>} : memref<8192xf32, #tpu.memory_space<vmem>>, vector<16xf32>,
      %parallel_loop3A_248 = vector.shape_cast %parallel_loop3A_247 : vector<16xf32> to vector<16xf32>
      %parallel_loop3A_249 = arith.addf %parallel_loop3A_149, %parallel_loop3A_248 : vector<16xf32>
      %parallel_loop3A_250 = arith.maximumf %parallel_loop3A_165, %parallel_loop3A_248 : vector<16xf32>
      %parallel_loop3A_251 = arith.constant 176 : i32
      %parallel_loop3A_252 = arith.addi %parallel_loop3A_173, %parallel_loop3A_251 : i32
      %parallel_loop3A_253 = arith.index_cast %parallel_loop3A_252 : i32 to index
      %parallel_loop3A_254 = tpu.vector_load %arg5[%parallel_loop3A_253] {strides = array<i32>} : memref<8192xf32, #tpu.memory_space<vmem>>, vector<16xf32>,
      %parallel_loop3A_255 = vector.shape_cast %parallel_loop3A_254 : vector<16xf32> to vector<16xf32>
      %parallel_loop3A_256 = arith.addf %parallel_loop3A_150, %parallel_loop3A_255 : vector<16xf32>
      %parallel_loop3A_257 = arith.maximumf %parallel_loop3A_166, %parallel_loop3A_255 : vector<16xf32>
      %parallel_loop3A_258 = arith.constant 192 : i32
      %parallel_loop3A_259 = arith.addi %parallel_loop3A_173, %parallel_loop3A_258 : i32
      %parallel_loop3A_260 = arith.index_cast %parallel_loop3A_259 : i32 to index
      %parallel_loop3A_261 = tpu.vector_load %arg5[%parallel_loop3A_260] {strides = array<i32>} : memref<8192xf32, #tpu.memory_space<vmem>>, vector<16xf32>,
      %parallel_loop3A_262 = vector.shape_cast %parallel_loop3A_261 : vector<16xf32> to vector<16xf32>
      %parallel_loop3A_263 = arith.addf %parallel_loop3A_151, %parallel_loop3A_262 : vector<16xf32>
      %parallel_loop3A_264 = arith.maximumf %parallel_loop3A_167, %parallel_loop3A_262 : vector<16xf32>
      %parallel_loop3A_265 = arith.constant 208 : i32
      %parallel_loop3A_266 = arith.addi %parallel_loop3A_173, %parallel_loop3A_265 : i32
      %parallel_loop3A_267 = arith.index_cast %parallel_loop3A_266 : i32 to index
      %parallel_loop3A_268 = tpu.vector_load %arg5[%parallel_loop3A_267] {strides = array<i32>} : memref<8192xf32, #tpu.memory_space<vmem>>, vector<16xf32>,
      %parallel_loop3A_269 = vector.shape_cast %parallel_loop3A_268 : vector<16xf32> to vector<16xf32>
      %parallel_loop3A_270 = arith.addf %parallel_loop3A_152, %parallel_loop3A_269 : vector<16xf32>
      %parallel_loop3A_271 = arith.maximumf %parallel_loop3A_168, %parallel_loop3A_269 : vector<16xf32>
      %parallel_loop3A_272 = arith.constant 224 : i32
      %parallel_loop3A_273 = arith.addi %parallel_loop3A_173, %parallel_loop3A_272 : i32
      %parallel_loop3A_274 = arith.index_cast %parallel_loop3A_273 : i32 to index
      %parallel_loop3A_275 = tpu.vector_load %arg5[%parallel_loop3A_274] {strides = array<i32>} : memref<8192xf32, #tpu.memory_space<vmem>>, vector<16xf32>,
      %parallel_loop3A_276 = vector.shape_cast %parallel_loop3A_275 : vector<16xf32> to vector<16xf32>
      %parallel_loop3A_277 = arith.addf %parallel_loop3A_153, %parallel_loop3A_276 : vector<16xf32>
      %parallel_loop3A_278 = arith.maximumf %parallel_loop3A_169, %parallel_loop3A_276 : vector<16xf32>
      %parallel_loop3A_279 = arith.constant 240 : i32
      %parallel_loop3A_280 = arith.addi %parallel_loop3A_173, %parallel_loop3A_279 : i32
      %parallel_loop3A_281 = arith.index_cast %parallel_loop3A_280 : i32 to index
      %parallel_loop3A_282 = tpu.vector_load %arg5[%parallel_loop3A_281] {strides = array<i32>} : memref<8192xf32, #tpu.memory_space<vmem>>, vector<16xf32>,
      %parallel_loop3A_283 = vector.shape_cast %parallel_loop3A_282 : vector<16xf32> to vector<16xf32>
      %parallel_loop3A_284 = arith.addf %parallel_loop3A_154, %parallel_loop3A_283 : vector<16xf32>
      %parallel_loop3A_285 = arith.maximumf %parallel_loop3A_170, %parallel_loop3A_283 : vector<16xf32>
      scf.yield %parallel_loop3A_179, %parallel_loop3A_186, %parallel_loop3A_193, %parallel_loop3A_200, %parallel_loop3A_207, %parallel_loop3A_214, %parallel_loop3A_221, %parallel_loop3A_228, %parallel_loop3A_235, %parallel_loop3A_242, %parallel_loop3A_249, %parallel_loop3A_256, %parallel_loop3A_263, %parallel_loop3A_270, %parallel_loop3A_277, %parallel_loop3A_284, %parallel_loop3A_180, %parallel_loop3A_187, %parallel_loop3A_194, %parallel_loop3A_201, %parallel_loop3A_208, %parallel_loop3A_215, %parallel_loop3A_222, %parallel_loop3A_229, %parallel_loop3A_236, %parallel_loop3A_243, %parallel_loop3A_250, %parallel_loop3A_257, %parallel_loop3A_264, %parallel_loop3A_271, %parallel_loop3A_278, %parallel_loop3A_285 : vector<16xf32>, vector<16xf32>, vector<16xf32>, vector<16xf32>, vector<16xf32>, vector<16xf32>, vector<16xf32>, vector<16xf32>, vector<16xf32>, vector<16xf32>, vector<16xf32>, vector<16xf32>, vector<16xf32>, vector<16xf32>, vector<16xf32>, vector<16xf32>, vector<16xf32>, vector<16xf32>, vector<16xf32>, vector<16xf32>, vector<16xf32>, vector<16xf32>, vector<16xf32>, vector<16xf32>, vector<16xf32>, vector<16xf32>, vector<16xf32>, vector<16xf32>, vector<16xf32>, vector<16xf32>, vector<16xf32>, vector<16xf32>
    } {sc.loop_unroll_factor = 1 : i64, sc.parallel_access}
    %add3A_54 = arith.addf %parallel_loop3A_53#0, %parallel_loop3A_53#1 : vector<16xf32>
    %add3A_55 = arith.addf %add3A_54, %parallel_loop3A_53#2 : vector<16xf32>
    %add3A_56 = arith.addf %add3A_55, %parallel_loop3A_53#3 : vector<16xf32>
    %add3A_57 = arith.addf %add3A_56, %parallel_loop3A_53#4 : vector<16xf32>
    %add3A_58 = arith.addf %add3A_57, %parallel_loop3A_53#5 : vector<16xf32>
    %add3A_59 = arith.addf %add3A_58, %parallel_loop3A_53#6 : vector<16xf32>
    %add3A_60 = arith.addf %add3A_59, %parallel_loop3A_53#7 : vector<16xf32>
    %add3A_61 = arith.addf %add3A_60, %parallel_loop3A_53#8 : vector<16xf32>
    %add3A_62 = arith.addf %add3A_61, %parallel_loop3A_53#9 : vector<16xf32>
    %add3A_63 = arith.addf %add3A_62, %parallel_loop3A_53#10 : vector<16xf32>
    %add3A_64 = arith.addf %add3A_63, %parallel_loop3A_53#11 : vector<16xf32>
    %add3A_65 = arith.addf %add3A_64, %parallel_loop3A_53#12 : vector<16xf32>
    %add3A_66 = arith.addf %add3A_65, %parallel_loop3A_53#13 : vector<16xf32>
    %add3A_67 = arith.addf %add3A_66, %parallel_loop3A_53#14 : vector<16xf32>
    %add3A_68 = arith.addf %add3A_67, %parallel_loop3A_53#15 : vector<16xf32>
    %max3A = arith.maximumf %parallel_loop3A_53#16, %parallel_loop3A_53#17 : vector<16xf32>
    %max3A_69 = arith.maximumf %max3A, %parallel_loop3A_53#18 : vector<16xf32>
    %max3A_70 = arith.maximumf %max3A_69, %parallel_loop3A_53#19 : vector<16xf32>
    %max3A_71 = arith.maximumf %max3A_70, %parallel_loop3A_53#20 : vector<16xf32>
    %max3A_72 = arith.maximumf %max3A_71, %parallel_loop3A_53#21 : vector<16xf32>
    %max3A_73 = arith.maximumf %max3A_72, %parallel_loop3A_53#22 : vector<16xf32>
    %max3A_74 = arith.maximumf %max3A_73, %parallel_loop3A_53#23 : vector<16xf32>
    %max3A_75 = arith.maximumf %max3A_74, %parallel_loop3A_53#24 : vector<16xf32>
    %max3A_76 = arith.maximumf %max3A_75, %parallel_loop3A_53#25 : vector<16xf32>
    %max3A_77 = arith.maximumf %max3A_76, %parallel_loop3A_53#26 : vector<16xf32>
    %max3A_78 = arith.maximumf %max3A_77, %parallel_loop3A_53#27 : vector<16xf32>
    %max3A_79 = arith.maximumf %max3A_78, %parallel_loop3A_53#28 : vector<16xf32>
    %max3A_80 = arith.maximumf %max3A_79, %parallel_loop3A_53#29 : vector<16xf32>
    %max3A_81 = arith.maximumf %max3A_80, %parallel_loop3A_53#30 : vector<16xf32>
    %max3A_82 = arith.maximumf %max3A_81, %parallel_loop3A_53#31 : vector<16xf32>
    %swap3A_83 = arith.constant 0 : index
    %swap3A_84 = tpu.vector_load %arg8[%swap3A_83] {strides = array<i32>} : memref<16xf32, #tpu.memory_space<vmem>>, vector<16xf32>,
    %swap3A_85 = vector.shape_cast %swap3A_84 : vector<16xf32> to vector<16xf32>
    %swap3A_86 = vector.shape_cast %add3A_68 : vector<16xf32> to vector<16xf32>
    tpu.vector_store %arg8[%swap3A_83], %swap3A_86 {strides = array<i32>} : memref<16xf32, #tpu.memory_space<vmem>>, vector<16xf32>,
    %dma_start3A_87 = tpu.memref_slice %arg4[%multiple_of3A_5] : memref<2048xf32, #tpu.memory_space<hbm>> -> memref<16xf32, #tpu.memory_space<hbm>>
    %dma_start3A_88 = tpu.memref_slice %arg4[%multiple_of3A_5] : memref<2048xf32, #tpu.memory_space<hbm>> -> memref<16xf32, #tpu.memory_space<hbm>>
    tpu.enqueue_dma source(%arg8 : memref<16xf32, #tpu.memory_space<vmem>>) target(%dma_start3A_88 : memref<16xf32, #tpu.memory_space<hbm>>) target_semaphore(%arg14 : memref<!tpu.dma_semaphore, #tpu.memory_space<semaphore_mem>>)
    %swap3A_89 = arith.constant 0 : index
    %swap3A_90 = tpu.vector_load %arg9[%swap3A_89] {strides = array<i32>} : memref<16xf32, #tpu.memory_space<vmem>>, vector<16xf32>,
    %swap3A_91 = vector.shape_cast %swap3A_90 : vector<16xf32> to vector<16xf32>
    %swap3A_92 = vector.shape_cast %max3A_82 : vector<16xf32> to vector<16xf32>
    tpu.vector_store %arg9[%swap3A_89], %swap3A_92 {strides = array<i32>} : memref<16xf32, #tpu.memory_space<vmem>>, vector<16xf32>,
    %add3A_93 = arith.constant 512 : i32
    %add3A_94 = arith.addi %add3A_93, %multiple_of3A_5 : i32
    %dma_start3A_95 = tpu.memref_slice %arg4[%add3A_94] : memref<2048xf32, #tpu.memory_space<hbm>> -> memref<16xf32, #tpu.memory_space<hbm>>
    %dma_start3A_96 = tpu.memref_slice %arg4[%add3A_94] : memref<2048xf32, #tpu.memory_space<hbm>> -> memref<16xf32, #tpu.memory_space<hbm>>
    tpu.enqueue_dma source(%arg9 : memref<16xf32, #tpu.memory_space<vmem>>) target(%dma_start3A_96 : memref<16xf32, #tpu.memory_space<hbm>>) target_semaphore(%arg15 : memref<!tpu.dma_semaphore, #tpu.memory_space<semaphore_mem>>)
    %parallel_loop3A_97 = arith.constant 0 : i32
    %parallel_loop3A_98 = arith.constant 32 : i32
    %parallel_loop3A_99 = arith.constant 1 : i32
    %parallel_loop3A_100:16 = scf.for %parallel_loop3A_138 = %parallel_loop3A_97 to %parallel_loop3A_98 step %parallel_loop3A_99 iter_args(%parallel_loop3A_139 = %broadcast_in_dim3A_33, %parallel_loop3A_140 = %broadcast_in_dim3A_33, %parallel_loop3A_141 = %broadcast_in_dim3A_33, %parallel_loop3A_142 = %broadcast_in_dim3A_33, %parallel_loop3A_143 = %broadcast_in_dim3A_33, %parallel_loop3A_144 = %broadcast_in_dim3A_33, %parallel_loop3A_145 = %broadcast_in_dim3A_33, %parallel_loop3A_146 = %broadcast_in_dim3A_33, %parallel_loop3A_147 = %broadcast_in_dim3A_33, %parallel_loop3A_148 = %broadcast_in_dim3A_33, %parallel_loop3A_149 = %broadcast_in_dim3A_33, %parallel_loop3A_150 = %broadcast_in_dim3A_33, %parallel_loop3A_151 = %broadcast_in_dim3A_33, %parallel_loop3A_152 = %broadcast_in_dim3A_33, %parallel_loop3A_153 = %broadcast_in_dim3A_33, %parallel_loop3A_154 = %broadcast_in_dim3A_33) -> (vector<16xf32>, vector<16xf32>, vector<16xf32>, vector<16xf32>, vector<16xf32>, vector<16xf32>, vector<16xf32>, vector<16xf32>, vector<16xf32>, vector<16xf32>, vector<16xf32>, vector<16xf32>, vector<16xf32>, vector<16xf32>, vector<16xf32>, vector<16xf32>)  : i32 {
      %parallel_loop3A_155 = arith.constant 256 : i32
      %parallel_loop3A_156 = arith.muli %parallel_loop3A_138, %parallel_loop3A_155 : i32
      %parallel_loop3A_157 = tpu.assume_multiple %parallel_loop3A_156, 8 : i32
      %parallel_loop3A_158 = arith.constant 0 : i32
      %parallel_loop3A_159 = arith.addi %parallel_loop3A_157, %parallel_loop3A_158 : i32
      %parallel_loop3A_160 = arith.index_cast %parallel_loop3A_159 : i32 to index
      %parallel_loop3A_161 = tpu.vector_load %arg5[%parallel_loop3A_160] {strides = array<i32>} : memref<8192xf32, #tpu.memory_space<vmem>>, vector<16xf32>,
      %parallel_loop3A_162 = vector.shape_cast %parallel_loop3A_161 : vector<16xf32> to vector<16xf32>
      %parallel_loop3A_163 = arith.subf %parallel_loop3A_162, %max3A_82 : vector<16xf32>
      %parallel_loop3A_164 = math.exp %parallel_loop3A_163 : vector<16xf32>
      %parallel_loop3A_165 = arith.addf %parallel_loop3A_139, %parallel_loop3A_164 : vector<16xf32>
      %parallel_loop3A_166 = arith.constant 16 : i32
      %parallel_loop3A_167 = arith.addi %parallel_loop3A_157, %parallel_loop3A_166 : i32
      %parallel_loop3A_168 = arith.index_cast %parallel_loop3A_167 : i32 to index
      %parallel_loop3A_169 = tpu.vector_load %arg5[%parallel_loop3A_168] {strides = array<i32>} : memref<8192xf32, #tpu.memory_space<vmem>>, vector<16xf32>,
      %parallel_loop3A_170 = vector.shape_cast %parallel_loop3A_169 : vector<16xf32> to vector<16xf32>
      %parallel_loop3A_171 = arith.subf %parallel_loop3A_170, %max3A_82 : vector<16xf32>
      %parallel_loop3A_172 = math.exp %parallel_loop3A_171 : vector<16xf32>
      %parallel_loop3A_173 = arith.addf %parallel_loop3A_140, %parallel_loop3A_172 : vector<16xf32>
      %parallel_loop3A_174 = arith.constant 32 : i32
      %parallel_loop3A_175 = arith.addi %parallel_loop3A_157, %parallel_loop3A_174 : i32
      %parallel_loop3A_176 = arith.index_cast %parallel_loop3A_175 : i32 to index
      %parallel_loop3A_177 = tpu.vector_load %arg5[%parallel_loop3A_176] {strides = array<i32>} : memref<8192xf32, #tpu.memory_space<vmem>>, vector<16xf32>,
      %parallel_loop3A_178 = vector.shape_cast %parallel_loop3A_177 : vector<16xf32> to vector<16xf32>
      %parallel_loop3A_179 = arith.subf %parallel_loop3A_178, %max3A_82 : vector<16xf32>
      %parallel_loop3A_180 = math.exp %parallel_loop3A_179 : vector<16xf32>
      %parallel_loop3A_181 = arith.addf %parallel_loop3A_141, %parallel_loop3A_180 : vector<16xf32>
      %parallel_loop3A_182 = arith.constant 48 : i32
      %parallel_loop3A_183 = arith.addi %parallel_loop3A_157, %parallel_loop3A_182 : i32
      %parallel_loop3A_184 = arith.index_cast %parallel_loop3A_183 : i32 to index
      %parallel_loop3A_185 = tpu.vector_load %arg5[%parallel_loop3A_184] {strides = array<i32>} : memref<8192xf32, #tpu.memory_space<vmem>>, vector<16xf32>,
      %parallel_loop3A_186 = vector.shape_cast %parallel_loop3A_185 : vector<16xf32> to vector<16xf32>
      %parallel_loop3A_187 = arith.subf %parallel_loop3A_186, %max3A_82 : vector<16xf32>
      %parallel_loop3A_188 = math.exp %parallel_loop3A_187 : vector<16xf32>
      %parallel_loop3A_189 = arith.addf %parallel_loop3A_142, %parallel_loop3A_188 : vector<16xf32>
      %parallel_loop3A_190 = arith.constant 64 : i32
      %parallel_loop3A_191 = arith.addi %parallel_loop3A_157, %parallel_loop3A_190 : i32
      %parallel_loop3A_192 = arith.index_cast %parallel_loop3A_191 : i32 to index
      %parallel_loop3A_193 = tpu.vector_load %arg5[%parallel_loop3A_192] {strides = array<i32>} : memref<8192xf32, #tpu.memory_space<vmem>>, vector<16xf32>,
      %parallel_loop3A_194 = vector.shape_cast %parallel_loop3A_193 : vector<16xf32> to vector<16xf32>
      %parallel_loop3A_195 = arith.subf %parallel_loop3A_194, %max3A_82 : vector<16xf32>
      %parallel_loop3A_196 = math.exp %parallel_loop3A_195 : vector<16xf32>
      %parallel_loop3A_197 = arith.addf %parallel_loop3A_143, %parallel_loop3A_196 : vector<16xf32>
      %parallel_loop3A_198 = arith.constant 80 : i32
      %parallel_loop3A_199 = arith.addi %parallel_loop3A_157, %parallel_loop3A_198 : i32
      %parallel_loop3A_200 = arith.index_cast %parallel_loop3A_199 : i32 to index
      %parallel_loop3A_201 = tpu.vector_load %arg5[%parallel_loop3A_200] {strides = array<i32>} : memref<8192xf32, #tpu.memory_space<vmem>>, vector<16xf32>,
      %parallel_loop3A_202 = vector.shape_cast %parallel_loop3A_201 : vector<16xf32> to vector<16xf32>
      %parallel_loop3A_203 = arith.subf %parallel_loop3A_202, %max3A_82 : vector<16xf32>
      %parallel_loop3A_204 = math.exp %parallel_loop3A_203 : vector<16xf32>
      %parallel_loop3A_205 = arith.addf %parallel_loop3A_144, %parallel_loop3A_204 : vector<16xf32>
      %parallel_loop3A_206 = arith.constant 96 : i32
      %parallel_loop3A_207 = arith.addi %parallel_loop3A_157, %parallel_loop3A_206 : i32
      %parallel_loop3A_208 = arith.index_cast %parallel_loop3A_207 : i32 to index
      %parallel_loop3A_209 = tpu.vector_load %arg5[%parallel_loop3A_208] {strides = array<i32>} : memref<8192xf32, #tpu.memory_space<vmem>>, vector<16xf32>,
      %parallel_loop3A_210 = vector.shape_cast %parallel_loop3A_209 : vector<16xf32> to vector<16xf32>
      %parallel_loop3A_211 = arith.subf %parallel_loop3A_210, %max3A_82 : vector<16xf32>
      %parallel_loop3A_212 = math.exp %parallel_loop3A_211 : vector<16xf32>
      %parallel_loop3A_213 = arith.addf %parallel_loop3A_145, %parallel_loop3A_212 : vector<16xf32>
      %parallel_loop3A_214 = arith.constant 112 : i32
      %parallel_loop3A_215 = arith.addi %parallel_loop3A_157, %parallel_loop3A_214 : i32
      %parallel_loop3A_216 = arith.index_cast %parallel_loop3A_215 : i32 to index
      %parallel_loop3A_217 = tpu.vector_load %arg5[%parallel_loop3A_216] {strides = array<i32>} : memref<8192xf32, #tpu.memory_space<vmem>>, vector<16xf32>,
      %parallel_loop3A_218 = vector.shape_cast %parallel_loop3A_217 : vector<16xf32> to vector<16xf32>
      %parallel_loop3A_219 = arith.subf %parallel_loop3A_218, %max3A_82 : vector<16xf32>
      %parallel_loop3A_220 = math.exp %parallel_loop3A_219 : vector<16xf32>
      %parallel_loop3A_221 = arith.addf %parallel_loop3A_146, %parallel_loop3A_220 : vector<16xf32>
      %parallel_loop3A_222 = arith.constant 128 : i32
      %parallel_loop3A_223 = arith.addi %parallel_loop3A_157, %parallel_loop3A_222 : i32
      %parallel_loop3A_224 = arith.index_cast %parallel_loop3A_223 : i32 to index
      %parallel_loop3A_225 = tpu.vector_load %arg5[%parallel_loop3A_224] {strides = array<i32>} : memref<8192xf32, #tpu.memory_space<vmem>>, vector<16xf32>,
      %parallel_loop3A_226 = vector.shape_cast %parallel_loop3A_225 : vector<16xf32> to vector<16xf32>
      %parallel_loop3A_227 = arith.subf %parallel_loop3A_226, %max3A_82 : vector<16xf32>
      %parallel_loop3A_228 = math.exp %parallel_loop3A_227 : vector<16xf32>
      %parallel_loop3A_229 = arith.addf %parallel_loop3A_147, %parallel_loop3A_228 : vector<16xf32>
      %parallel_loop3A_230 = arith.constant 144 : i32
      %parallel_loop3A_231 = arith.addi %parallel_loop3A_157, %parallel_loop3A_230 : i32
      %parallel_loop3A_232 = arith.index_cast %parallel_loop3A_231 : i32 to index
      %parallel_loop3A_233 = tpu.vector_load %arg5[%parallel_loop3A_232] {strides = array<i32>} : memref<8192xf32, #tpu.memory_space<vmem>>, vector<16xf32>,
      %parallel_loop3A_234 = vector.shape_cast %parallel_loop3A_233 : vector<16xf32> to vector<16xf32>
      %parallel_loop3A_235 = arith.subf %parallel_loop3A_234, %max3A_82 : vector<16xf32>
      %parallel_loop3A_236 = math.exp %parallel_loop3A_235 : vector<16xf32>
      %parallel_loop3A_237 = arith.addf %parallel_loop3A_148, %parallel_loop3A_236 : vector<16xf32>
      %parallel_loop3A_238 = arith.constant 160 : i32
      %parallel_loop3A_239 = arith.addi %parallel_loop3A_157, %parallel_loop3A_238 : i32
      %parallel_loop3A_240 = arith.index_cast %parallel_loop3A_239 : i32 to index
      %parallel_loop3A_241 = tpu.vector_load %arg5[%parallel_loop3A_240] {strides = array<i32>} : memref<8192xf32, #tpu.memory_space<vmem>>, vector<16xf32>,
      %parallel_loop3A_242 = vector.shape_cast %parallel_loop3A_241 : vector<16xf32> to vector<16xf32>
      %parallel_loop3A_243 = arith.subf %parallel_loop3A_242, %max3A_82 : vector<16xf32>
      %parallel_loop3A_244 = math.exp %parallel_loop3A_243 : vector<16xf32>
      %parallel_loop3A_245 = arith.addf %parallel_loop3A_149, %parallel_loop3A_244 : vector<16xf32>
      %parallel_loop3A_246 = arith.constant 176 : i32
      %parallel_loop3A_247 = arith.addi %parallel_loop3A_157, %parallel_loop3A_246 : i32
      %parallel_loop3A_248 = arith.index_cast %parallel_loop3A_247 : i32 to index
      %parallel_loop3A_249 = tpu.vector_load %arg5[%parallel_loop3A_248] {strides = array<i32>} : memref<8192xf32, #tpu.memory_space<vmem>>, vector<16xf32>,
      %parallel_loop3A_250 = vector.shape_cast %parallel_loop3A_249 : vector<16xf32> to vector<16xf32>
      %parallel_loop3A_251 = arith.subf %parallel_loop3A_250, %max3A_82 : vector<16xf32>
      %parallel_loop3A_252 = math.exp %parallel_loop3A_251 : vector<16xf32>
      %parallel_loop3A_253 = arith.addf %parallel_loop3A_150, %parallel_loop3A_252 : vector<16xf32>
      %parallel_loop3A_254 = arith.constant 192 : i32
      %parallel_loop3A_255 = arith.addi %parallel_loop3A_157, %parallel_loop3A_254 : i32
      %parallel_loop3A_256 = arith.index_cast %parallel_loop3A_255 : i32 to index
      %parallel_loop3A_257 = tpu.vector_load %arg5[%parallel_loop3A_256] {strides = array<i32>} : memref<8192xf32, #tpu.memory_space<vmem>>, vector<16xf32>,
      %parallel_loop3A_258 = vector.shape_cast %parallel_loop3A_257 : vector<16xf32> to vector<16xf32>
      %parallel_loop3A_259 = arith.subf %parallel_loop3A_258, %max3A_82 : vector<16xf32>
      %parallel_loop3A_260 = math.exp %parallel_loop3A_259 : vector<16xf32>
      %parallel_loop3A_261 = arith.addf %parallel_loop3A_151, %parallel_loop3A_260 : vector<16xf32>
      %parallel_loop3A_262 = arith.constant 208 : i32
      %parallel_loop3A_263 = arith.addi %parallel_loop3A_157, %parallel_loop3A_262 : i32
      %parallel_loop3A_264 = arith.index_cast %parallel_loop3A_263 : i32 to index
      %parallel_loop3A_265 = tpu.vector_load %arg5[%parallel_loop3A_264] {strides = array<i32>} : memref<8192xf32, #tpu.memory_space<vmem>>, vector<16xf32>,
      %parallel_loop3A_266 = vector.shape_cast %parallel_loop3A_265 : vector<16xf32> to vector<16xf32>
      %parallel_loop3A_267 = arith.subf %parallel_loop3A_266, %max3A_82 : vector<16xf32>
      %parallel_loop3A_268 = math.exp %parallel_loop3A_267 : vector<16xf32>
      %parallel_loop3A_269 = arith.addf %parallel_loop3A_152, %parallel_loop3A_268 : vector<16xf32>
      %parallel_loop3A_270 = arith.constant 224 : i32
      %parallel_loop3A_271 = arith.addi %parallel_loop3A_157, %parallel_loop3A_270 : i32
      %parallel_loop3A_272 = arith.index_cast %parallel_loop3A_271 : i32 to index
      %parallel_loop3A_273 = tpu.vector_load %arg5[%parallel_loop3A_272] {strides = array<i32>} : memref<8192xf32, #tpu.memory_space<vmem>>, vector<16xf32>,
      %parallel_loop3A_274 = vector.shape_cast %parallel_loop3A_273 : vector<16xf32> to vector<16xf32>
      %parallel_loop3A_275 = arith.subf %parallel_loop3A_274, %max3A_82 : vector<16xf32>
      %parallel_loop3A_276 = math.exp %parallel_loop3A_275 : vector<16xf32>
      %parallel_loop3A_277 = arith.addf %parallel_loop3A_153, %parallel_loop3A_276 : vector<16xf32>
      %parallel_loop3A_278 = arith.constant 240 : i32
      %parallel_loop3A_279 = arith.addi %parallel_loop3A_157, %parallel_loop3A_278 : i32
      %parallel_loop3A_280 = arith.index_cast %parallel_loop3A_279 : i32 to index
      %parallel_loop3A_281 = tpu.vector_load %arg5[%parallel_loop3A_280] {strides = array<i32>} : memref<8192xf32, #tpu.memory_space<vmem>>, vector<16xf32>,
      %parallel_loop3A_282 = vector.shape_cast %parallel_loop3A_281 : vector<16xf32> to vector<16xf32>
      %parallel_loop3A_283 = arith.subf %parallel_loop3A_282, %max3A_82 : vector<16xf32>
      %parallel_loop3A_284 = math.exp %parallel_loop3A_283 : vector<16xf32>
      %parallel_loop3A_285 = arith.addf %parallel_loop3A_154, %parallel_loop3A_284 : vector<16xf32>
      scf.yield %parallel_loop3A_165, %parallel_loop3A_173, %parallel_loop3A_181, %parallel_loop3A_189, %parallel_loop3A_197, %parallel_loop3A_205, %parallel_loop3A_213, %parallel_loop3A_221, %parallel_loop3A_229, %parallel_loop3A_237, %parallel_loop3A_245, %parallel_loop3A_253, %parallel_loop3A_261, %parallel_loop3A_269, %parallel_loop3A_277, %parallel_loop3A_285 : vector<16xf32>, vector<16xf32>, vector<16xf32>, vector<16xf32>, vector<16xf32>, vector<16xf32>, vector<16xf32>, vector<16xf32>, vector<16xf32>, vector<16xf32>, vector<16xf32>, vector<16xf32>, vector<16xf32>, vector<16xf32>, vector<16xf32>, vector<16xf32>
    } {sc.loop_unroll_factor = 1 : i64, sc.parallel_access}
    %add3A_101 = arith.addf %parallel_loop3A_100#0, %parallel_loop3A_100#1 : vector<16xf32>
    %add3A_102 = arith.addf %add3A_101, %parallel_loop3A_100#2 : vector<16xf32>
    %add3A_103 = arith.addf %add3A_102, %parallel_loop3A_100#3 : vector<16xf32>
    %add3A_104 = arith.addf %add3A_103, %parallel_loop3A_100#4 : vector<16xf32>
    %add3A_105 = arith.addf %add3A_104, %parallel_loop3A_100#5 : vector<16xf32>
    %add3A_106 = arith.addf %add3A_105, %parallel_loop3A_100#6 : vector<16xf32>
    %add3A_107 = arith.addf %add3A_106, %parallel_loop3A_100#7 : vector<16xf32>
    %add3A_108 = arith.addf %add3A_107, %parallel_loop3A_100#8 : vector<16xf32>
    %add3A_109 = arith.addf %add3A_108, %parallel_loop3A_100#9 : vector<16xf32>
    %add3A_110 = arith.addf %add3A_109, %parallel_loop3A_100#10 : vector<16xf32>
    %add3A_111 = arith.addf %add3A_110, %parallel_loop3A_100#11 : vector<16xf32>
    %add3A_112 = arith.addf %add3A_111, %parallel_loop3A_100#12 : vector<16xf32>
    %add3A_113 = arith.addf %add3A_112, %parallel_loop3A_100#13 : vector<16xf32>
    %add3A_114 = arith.addf %add3A_113, %parallel_loop3A_100#14 : vector<16xf32>
    %add3A_115 = arith.addf %add3A_114, %parallel_loop3A_100#15 : vector<16xf32>
    %dma_wait3A_116 = arith.constant 0 : i32
    %dma_wait3A_117 = tpu.memref_slice %arg2[%dma_wait3A_116] : memref<262144xf32, #tpu.memory_space<hbm>> -> memref<262144xf32, #tpu.memory_space<hbm>>
    tpu.wait_indirect_dma semaphore(%arg11 : memref<!tpu.dma_semaphore, #tpu.memory_space<semaphore_mem>>) src(%dma_wait3A_117 : memref<262144xf32, #tpu.memory_space<hbm>>) dst(%arg7 : memref<16xf32, #tpu.memory_space<vmem>>)
    %swap3A_118 = arith.constant 0 : index
    %swap3A_119 = tpu.vector_load %arg10[%swap3A_118] {strides = array<i32>} : memref<16xf32, #tpu.memory_space<vmem>>, vector<16xf32>,
    %swap3A_120 = vector.shape_cast %swap3A_119 : vector<16xf32> to vector<16xf32>
    %swap3A_121 = vector.shape_cast %add3A_115 : vector<16xf32> to vector<16xf32>
    tpu.vector_store %arg10[%swap3A_118], %swap3A_121 {strides = array<i32>} : memref<16xf32, #tpu.memory_space<vmem>>, vector<16xf32>,
    %add3A_122 = arith.constant 1024 : i32
    %add3A_123 = arith.addi %add3A_122, %multiple_of3A_5 : i32
    %dma_start3A_124 = tpu.memref_slice %arg4[%add3A_123] : memref<2048xf32, #tpu.memory_space<hbm>> -> memref<16xf32, #tpu.memory_space<hbm>>
    %dma_start3A_125 = tpu.memref_slice %arg4[%add3A_123] : memref<2048xf32, #tpu.memory_space<hbm>> -> memref<16xf32, #tpu.memory_space<hbm>>
    tpu.enqueue_dma source(%arg10 : memref<16xf32, #tpu.memory_space<vmem>>) target(%dma_start3A_125 : memref<16xf32, #tpu.memory_space<hbm>>) target_semaphore(%arg16 : memref<!tpu.dma_semaphore, #tpu.memory_space<semaphore_mem>>)
    %add3A_126 = arith.constant 1536 : i32
    %add3A_127 = arith.addi %add3A_126, %multiple_of3A_5 : i32
    %dma_start3A_128 = tpu.memref_slice %arg4[%add3A_127] : memref<2048xf32, #tpu.memory_space<hbm>> -> memref<16xf32, #tpu.memory_space<hbm>>
    %dma_start3A_129 = tpu.memref_slice %arg4[%add3A_127] : memref<2048xf32, #tpu.memory_space<hbm>> -> memref<16xf32, #tpu.memory_space<hbm>>
    tpu.enqueue_dma source(%arg7 : memref<16xf32, #tpu.memory_space<vmem>>) target(%dma_start3A_129 : memref<16xf32, #tpu.memory_space<hbm>>) target_semaphore(%arg17 : memref<!tpu.dma_semaphore, #tpu.memory_space<semaphore_mem>>)
    %dma_wait3A_130 = tpu.memref_slice %arg4[%multiple_of3A_5] : memref<2048xf32, #tpu.memory_space<hbm>> -> memref<16xf32, #tpu.memory_space<hbm>>
    %dma_wait3A_131 = tpu.memref_slice %arg4[%multiple_of3A_5] : memref<2048xf32, #tpu.memory_space<hbm>> -> memref<16xf32, #tpu.memory_space<hbm>>
    tpu.wait_dma2 semaphore(%arg14 : memref<!tpu.dma_semaphore, #tpu.memory_space<semaphore_mem>>) src(%arg8 : memref<16xf32, #tpu.memory_space<vmem>>) dst(%dma_wait3A_131 : memref<16xf32, #tpu.memory_space<hbm>>)
    %dma_wait3A_132 = tpu.memref_slice %arg4[%add3A_94] : memref<2048xf32, #tpu.memory_space<hbm>> -> memref<16xf32, #tpu.memory_space<hbm>>
    %dma_wait3A_133 = tpu.memref_slice %arg4[%add3A_94] : memref<2048xf32, #tpu.memory_space<hbm>> -> memref<16xf32, #tpu.memory_space<hbm>>
    tpu.wait_dma2 semaphore(%arg15 : memref<!tpu.dma_semaphore, #tpu.memory_space<semaphore_mem>>) src(%arg9 : memref<16xf32, #tpu.memory_space<vmem>>) dst(%dma_wait3A_133 : memref<16xf32, #tpu.memory_space<hbm>>)
    %dma_wait3A_134 = tpu.memref_slice %arg4[%add3A_123] : memref<2048xf32, #tpu.memory_space<hbm>> -> memref<16xf32, #tpu.memory_space<hbm>>
    %dma_wait3A_135 = tpu.memref_slice %arg4[%add3A_123] : memref<2048xf32, #tpu.memory_space<hbm>> -> memref<16xf32, #tpu.memory_space<hbm>>
    tpu.wait_dma2 semaphore(%arg16 : memref<!tpu.dma_semaphore, #tpu.memory_space<semaphore_mem>>) src(%arg10 : memref<16xf32, #tpu.memory_space<vmem>>) dst(%dma_wait3A_135 : memref<16xf32, #tpu.memory_space<hbm>>)
    %dma_wait3A_136 = tpu.memref_slice %arg4[%add3A_127] : memref<2048xf32, #tpu.memory_space<hbm>> -> memref<16xf32, #tpu.memory_space<hbm>>
    %dma_wait3A_137 = tpu.memref_slice %arg4[%add3A_127] : memref<2048xf32, #tpu.memory_space<hbm>> -> memref<16xf32, #tpu.memory_space<hbm>>
    tpu.wait_dma2 semaphore(%arg17 : memref<!tpu.dma_semaphore, #tpu.memory_space<semaphore_mem>>) src(%arg7 : memref<16xf32, #tpu.memory_space<vmem>>) dst(%dma_wait3A_137 : memref<16xf32, #tpu.memory_space<hbm>>)
    return
  }
}

module attributes {stable_mosaic.version = 14 : i64} {
  func.func @_combine_body(%arg0: memref<16x128xf32, #tpu.memory_space<vmem>>, %arg1: memref<1x1xf32, #tpu.memory_space<vmem>>) attributes {dimension_semantics = [], scalar_prefetch = 0 : i64, scratch_operands = 0 : i64, tpu.core_type = #tpu.core_type<tc>} {
    %get3A = arith.constant 0 : index
    %get3A_0 = arith.constant 0 : index
    %get3A_1 = vector.load %arg0[%get3A, %get3A_0] : memref<16x128xf32, #tpu.memory_space<vmem>>, vector<16x128xf32>
    %slice3A = vector.extract_strided_slice %get3A_1 {offsets = [0, 0], sizes = [4, 128], strides = [1, 1]} : vector<16x128xf32> to vector<4x128xf32>
    %slice3A_2 = vector.extract_strided_slice %get3A_1 {offsets = [4, 0], sizes = [4, 128], strides = [1, 1]} : vector<16x128xf32> to vector<4x128xf32>
    %slice3A_3 = vector.extract_strided_slice %get3A_1 {offsets = [8, 0], sizes = [4, 128], strides = [1, 1]} : vector<16x128xf32> to vector<4x128xf32>
    %slice3A_4 = vector.extract_strided_slice %get3A_1 {offsets = [12, 0], sizes = [4, 128], strides = [1, 1]} : vector<16x128xf32> to vector<4x128xf32>
    %reduce_sum3A = vector.shape_cast %slice3A : vector<4x128xf32> to vector<1x4x128xf32>
    %reduce_sum3A_5 = arith.constant dense<0.000000e+00> : vector<1xf32>
    %reduce_sum3A_6 = vector.multi_reduction <add>, %reduce_sum3A, %reduce_sum3A_5 [1, 2] : vector<1x4x128xf32> to vector<1xf32>
    %reduce_sum3A_7 = vector.shape_cast %reduce_sum3A_6 : vector<1xf32> to vector<1x1x1xf32>
    %reduce_sum3A_8 = vector.extract %reduce_sum3A_7[0, 0, 0] : f32 from vector<1x1x1xf32>
    %reduce_max3A = vector.shape_cast %slice3A_2 : vector<4x128xf32> to vector<1x4x128xf32>
    %reduce_max3A_9 = arith.constant dense<0xFF800000> : vector<1xf32>
    %reduce_max3A_10 = vector.multi_reduction <maximumf>, %reduce_max3A, %reduce_max3A_9 [1, 2] : vector<1x4x128xf32> to vector<1xf32>
    %reduce_max3A_11 = vector.shape_cast %reduce_max3A_10 : vector<1xf32> to vector<1x1x1xf32>
    %reduce_max3A_12 = vector.extract %reduce_max3A_11[0, 0, 0] : f32 from vector<1x1x1xf32>
    %sub3A = vector.broadcast %reduce_max3A_12 : f32 to vector<4x128xf32>
    %sub3A_13 = arith.subf %slice3A_2, %sub3A : vector<4x128xf32>
    %exp3A = math.exp %sub3A_13 : vector<4x128xf32>
    %mul3A = arith.mulf %slice3A_3, %exp3A : vector<4x128xf32>
    %reduce_sum3A_14 = vector.shape_cast %mul3A : vector<4x128xf32> to vector<1x4x128xf32>
    %reduce_sum3A_15 = arith.constant dense<0.000000e+00> : vector<1xf32>
    %reduce_sum3A_16 = vector.multi_reduction <add>, %reduce_sum3A_14, %reduce_sum3A_15 [1, 2] : vector<1x4x128xf32> to vector<1xf32>
    %reduce_sum3A_17 = vector.shape_cast %reduce_sum3A_16 : vector<1xf32> to vector<1x1x1xf32>
    %reduce_sum3A_18 = vector.extract %reduce_sum3A_17[0, 0, 0] : f32 from vector<1x1x1xf32>
    %log3A = math.log %reduce_sum3A_18 : f32
    %add3A = arith.addf %reduce_max3A_12, %log3A : f32
    %reduce_sum3A_19 = vector.shape_cast %slice3A_4 : vector<4x128xf32> to vector<1x4x128xf32>
    %reduce_sum3A_20 = arith.constant dense<0.000000e+00> : vector<1xf32>
    %reduce_sum3A_21 = vector.multi_reduction <add>, %reduce_sum3A_19, %reduce_sum3A_20 [1, 2] : vector<1x4x128xf32> to vector<1xf32>
    %reduce_sum3A_22 = vector.shape_cast %reduce_sum3A_21 : vector<1xf32> to vector<1x1x1xf32>
    %reduce_sum3A_23 = vector.extract %reduce_sum3A_22[0, 0, 0] : f32 from vector<1x1x1xf32>
    %mul3A_24 = arith.constant 2.621440e+05 : f32
    %mul3A_25 = arith.mulf %mul3A_24, %add3A : f32
    %sub3A_26 = arith.subf %reduce_sum3A_8, %mul3A_25 : f32
    %mul3A_27 = arith.constant 3.81471182E-7 : f32
    %mul3A_28 = arith.mulf %mul3A_27, %sub3A_26 : f32
    %div3A = arith.constant 5.120000e+02 : f32
    %div3A_29 = arith.divf %reduce_sum3A_23, %div3A : f32
    %sub3A_30 = arith.subf %div3A_29, %add3A : f32
    %mul3A_31 = arith.constant 0.899999619 : f32
    %mul3A_32 = arith.mulf %mul3A_31, %sub3A_30 : f32
    %add3A_33 = arith.addf %mul3A_28, %mul3A_32 : f32
    %neg3A = arith.constant 0.000000e+00 : f32
    %neg3A_34 = arith.subf %neg3A, %add3A_33 : f32
    %broadcast_in_dim3A = vector.broadcast %neg3A_34 : f32 to vector<1x1xf32>
    %swap3A = arith.constant 0 : index
    %swap3A_35 = arith.constant 0 : index
    %swap3A_36 = vector.load %arg1[%swap3A, %swap3A_35] : memref<1x1xf32, #tpu.memory_space<vmem>>, vector<1x1xf32>
    tpu.vector_store %arg1[%swap3A, %swap3A_35], %broadcast_in_dim3A {strides = array<i32>} : memref<1x1xf32, #tpu.memory_space<vmem>>, vector<1x1xf32>,
    return
  }
}

</mosaic_0001>

<sc_bundles>
// kernel: kernel.4.cloned.1.call-start
scs
__scs_entry_jumppad:
0x0: {  	(pc) =	sbr.rel $0x88, $3  }
0x1: {  	(tag) =	ssettag $0x0;
	lr =	simm.s32 $0x1  }
0x2: {  	[smem:$0x3F9F] =	sst lr;
	_ =	strace $0xD0000000  }
0x3: {  	_ = 	snop  }
0x4: {  	_ = 	snop  }
0x5: {  	_ = 	snop  }
0x6: {  	_ = 	snop  }
0x7: {  	_ = 	snop  }
__scs_overlays_trampoline_lowered:
0x8: {  	[smem:$0x3FAE] =	sst s0  }
0x9: {  	[smem:$0x3FAF] =	sst s1  }
0xa: {  	[smem:$0x3FB0] =	sst s2  }
0xb: {  	[smem:$0x3FB1] =	sst s3  }
0xc: {  	[smem:$0x3FB2] =	sst s4  }
0xd: {  	[smem:$0x3FB3] =	sst s5  }
0xe: {  	[smem:$0x3FB4] =	sst s6  }
0xf: {  	[smem:$0x3FB5] =	sst s7  }
0x10: {  	[smem:$0x3FB6] =	sst s8  }
0x11: {  	[smem:$0x3FB7] =	sst s9;
	s0 =	simm.s32 @!p0 $0x0  }
0x12: {  	s1 =	sld [smem:$0x3F9D];
	s0 =	simm.s32 @p0 $0x1  }
0x13: {  	[smem:$0x3FB8] =	sst s0;
	s0 =	simm.s32 @!p1 $0x0  }
0x14: {  	s2 =	sld [smem:$0x3F9C];
	s0 =	simm.s32 @p1 $0x1  }
0x15: {  	[smem:$0x3FB9] =	sst s0;
	s0 =	simm.s32 @!p2 $0x0  }
0x16: {  	s3 =	sld [smem:$0x3FDB];
	s0 =	simm.s32 @p2 $0x1  }
0x17: {  	s4 =	simm.s32 $0x1BF5;
	[smem:$0x3FBB] =	sst s0  }
0x18: {  	s0 =	sld [smem:$0x3F9E];
	_ =	swait.ge [sflag:s4], $0x0  }
0x19: {  	s7 =	sld [smem:$0x3F9F]  }
0x1a: {  	s8 =	sadd.s32 $0xFFFFE003, lr  }
0x1b: {  	s9 =	sadd.s32 $0xFFFFFEF7, lr;
	s5 =	simm.s32 $0xFFFFFFFF;
	p2 =	slt.u32 s8, $0xFFFFF086  }
0x1c: {  	p1 =	slt.u32 s9, $0xF7A;
	s5 =	simm.s32 @!p2 $0x0  }
0x1d: {  	s5 =	simm.s32 @p1 $0x1;
	p0 =	seq.s32 s7, s2  }
0x1e: {  	s7 =	smul.u32 @!p0 $0xF7A, s2;
	p2 =	seq.s32 @!p0 s5, $0x0  }
0x1f: {  	s9 =	smul.u32 $0xF7A, s1;
	s8 =	simm.s32 @!p0 $0x1BF5;
	p2 =	por !p2, p0  }
0x20: {  	[sflag:s8] =	ssyncset.s32 @!p0 $0xFFFFF086;
	s6 =	sadd.s32 @!p0 s3, s7;
	s7 =	simm.s32 @!p0 $0x108  }
0x21: {  	s3 =	sadd.s32 s3, s9;
	s6 =	sadd.s32 @!p0 $0x88, s6;
	s7 =	simm.s32 @p2 $0x1082  }
0x22: {  	[simem:s7], [sflag:s8] =	dma.local @!p0 [hbm:s6], $0xF7A  }
0x23: {  	s9 =	sor.u32 $0xD0000000, s2;
	s6 =	simm.s32 $0x108;
	_ =	swait.ge @!p0 [sflag:s8], $0x0  }
0x24: {  	s3 =	sadd.s32 $0x88, s3;
	s6 =	simm.s32 @!p1 $0x1082;
	[sflag:s4] =	ssyncset.s32 $0xFFFFF086  }
0x25: {  	[simem:s6], [sflag:s4] =	dma.local [hbm:s3], $0xF7A  }
0x26: {  	[smem:$0x3F9F] =	sst s1;
	(tag) =	ssettag s2;
	_ =	strace s9  }
0x27: {  	s1 =	sld [smem:$0x3FAF]  }
0x28: {  	s2 =	sld [smem:$0x3FB0]  }
0x29: {  	s4 =	sld [smem:$0x3FB2]  }
0x2a: {  	p0 =	seq.s32 s5, $0x0;
	s5 =	sld [smem:$0x3FB3]  }
0x2b: {  	s6 =	sld [smem:$0x3FB4]  }
0x2c: {  	s7 =	sld [smem:$0x3FB5]  }
0x2d: {  	s3 =	simm.s32 $0x108;
	s8 =	sld [smem:$0x3FB6]  }
0x2e: {  	s3 =	simm.s32 @!p0 $0x1082;
	s9 =	sld [smem:$0x3FB7]  }
0x2f: {  	lr =	sadd.s32 s0, s3;
	s0 =	sld [smem:$0x3FAE]  }
0x30: {  	s3 =	sld [smem:$0x3FB1]  }
0x31: {  	[smem:$0x3FBA] =	sst s10  }
0x32: {  	s10 =	sld [smem:$0x3FB8];
	_ =	sdelay $0x3  }
0x33: {  	p0 =	seq.s32 s10, $0x1;
	s10 =	sld [smem:$0x3FBA];
	_ =	sdelay $0x3  }
0x34: {  	[smem:$0x3FBA] =	sst s10  }
0x35: {  	s10 =	sld [smem:$0x3FB9];
	_ =	sdelay $0x3  }
0x36: {  	p1 =	seq.s32 s10, $0x1;
	s10 =	sld [smem:$0x3FBA];
	_ =	sdelay $0x3  }
0x37: {  	[smem:$0x3FBA] =	sst s10  }
0x38: {  	s10 =	sld [smem:$0x3FBB]  }
0x39: {  	_ = 	snop;
	(pc) =	sbr.ind lr, $3  }
0x3a: {  	_ = 	snop  }
0x3b: {  	_ = 	snop  }
0x3c: {  	p2 =	seq.s32 s10, $0x1;
	s10 =	sld [smem:$0x3FBA]  }
0x3d: {  	_ =	shalt  }
0x3e: {  	_ =	shalt  }
0x3f: {  	_ =	shalt  }
0x40: {  	_ =	shalt  }
0x41: {  	_ =	shalt  }
0x42: {  	_ =	shalt  }
0x43: {  	_ =	shalt  }
0x44: {  	_ =	shalt  }
0x45: {  	_ =	shalt  }
0x46: {  	_ =	shalt  }
0x47: {  	_ =	shalt  }
0x48: {  	_ =	shalt  }
0x49: {  	_ =	shalt  }
0x4a: {  	_ =	shalt  }
0x4b: {  	_ =	shalt  }
0x4c: {  	_ =	shalt  }
0x4d: {  	_ =	shalt  }
0x4e: {  	_ =	shalt  }
0x4f: {  	_ =	shalt  }
0x50: {  	_ =	shalt  }
0x51: {  	_ =	shalt  }
0x52: {  	_ =	shalt  }
0x53: {  	_ =	shalt  }
0x54: {  	_ =	shalt  }
0x55: {  	_ =	shalt  }
0x56: {  	_ =	shalt  }
0x57: {  	_ =	shalt  }
0x58: {  	_ =	shalt  }
0x59: {  	_ =	shalt  }
0x5a: {  	_ =	shalt  }
0x5b: {  	_ =	shalt  }
0x5c: {  	_ =	shalt  }
0x5d: {  	_ =	shalt  }
0x5e: {  	_ =	shalt  }
0x5f: {  	_ =	shalt  }
0x60: {  	_ =	shalt  }
0x61: {  	_ =	shalt  }
0x62: {  	_ =	shalt  }
0x63: {  	_ =	shalt  }
0x64: {  	_ =	shalt  }
0x65: {  	_ =	shalt  }
0x66: {  	_ =	shalt  }
0x67: {  	_ =	shalt  }
0x68: {  	_ =	shalt  }
0x69: {  	_ =	shalt  }
0x6a: {  	_ =	shalt  }
0x6b: {  	_ =	shalt  }
0x6c: {  	_ =	shalt  }
0x6d: {  	_ =	shalt  }
0x6e: {  	_ =	shalt  }
0x6f: {  	_ =	shalt  }
0x70: {  	_ =	shalt  }
0x71: {  	_ =	shalt  }
0x72: {  	_ =	shalt  }
0x73: {  	_ =	shalt  }
0x74: {  	_ =	shalt  }
0x75: {  	_ =	shalt  }
0x76: {  	_ =	shalt  }
0x77: {  	_ =	shalt  }
0x78: {  	_ =	shalt  }
0x79: {  	_ =	shalt  }
0x7a: {  	_ =	shalt  }
0x7b: {  	_ =	shalt  }
0x7c: {  	_ =	shalt  }
0x7d: {  	_ =	shalt  }
0x7e: {  	_ =	shalt  }
0x7f: {  	_ =	shalt  }
0x80: {  	_ =	shalt  }
0x81: {  	_ =	shalt  }
0x82: {  	_ =	shalt  }
0x83: {  	_ =	shalt  }
0x84: {  	_ =	shalt  }
0x85: {  	_ =	shalt  }
0x86: {  	_ =	shalt  }
0x87: {  	_ =	shalt  }
.Lfunc_end0:
.L_simem_size_0:
called_computation_lowered:
.L_overlay_start_0:
0x88: {  	s2 =	sld [smem:$0x3FD9]  }
0x89: {  	s3 =	sld [smem:$0x3FFE];
	_ =	sdelay $0x1  }
0x8a: {  	s1 =	srdreg.scid  }
0x8b: {  	s0 =	sand.u32 $0x1, s1  }
0x8c: {  	s17 =	sshll.u32 s0, $0xA;
	s2 =	sadd.s32 s3, s2  }
0x8d: {  	s2 =	sadd.s32 s2, s17  }
0x8e: {  	[smem:$0x3FC6] =	sst s2  }
0x8f: {  	_ = 	snop  }
0x90: {  	s2 =	sld [smem:$0x3FC9]  }
0x91: {  	s18 =	sld [smem:$0x3FC8];
	(tm) =	ssettm $0x1  }
0x92: {  	s4 =	sld [smem:$0x3FFB];
	_ =	sdelay $0x3  }
0x93: {  	_ =	strace s4  }
0x94: {  	s4 =	sld [smem:$0x3FFC];
	_ =	sdelay $0x3  }
0x95: {  	_ =	strace s4  }
0x96: {  	s4 =	sld [smem:$0x3FFD];
	_ =	sdelay $0x3  }
0x97: {  	_ =	strace s4  }
0x98: {  	_ =	strace $0x8FFFFFFF  }
0x99: {  	s19 =	sld [smem:$0x3FDB];
	_ =	sdelay $0x1  }
0x9a: {  	s5 =	simm.s32 $_scs_section_size  }
0x9b: {  	s6 =	simm.s32 $_size__tile_overlayer_lowered;
	s7 =	simm.s32 $_tile_overlayer_lowered  }
0x9c: {  	s22 =	simm.s32 $0x1BFF;
	s21 =	sshll.u32 s7, $0x1;
	s4 =	sadd.s32 s5, s19  }
0x9d: {  	s8 =	simm.s32 $0x0;
	s20 =	sshll.u32 s6, $0x1;
	s6 =	sadd.s32 s21, s4  }
0x9e: {  	[timem:s8], [sflag:s22] =	dma.local [hbm:s6], s20  }
0x9f: {  	_ =	swait.ge [sflag:s22], s20  }
0xa0: {  	s5 =	ssub.s32 $0x0, s20;
	[sflag:s22] =	ssyncset.done $0x0  }
0xa1: {  	[sflag:s22] =	ssyncadd.s32 s5;
	_ =	sdelay $0x1  }
0xa2: {  	s23 =	simm.s32 $0x1B8B  }
0xa3: {  	_ =	swait.ge [sflag:s23], $0x1  }
0xa4: {  	[sflag:s23] =	ssyncset.done $0x0  }
0xa5: {  	s25 =	simm.s32 $0x1B8E;
	s24 =	sld [smem:$0x3FFE];
	[sflag:s23] =	ssyncadd.s32 $0xFFFFFFFF  }
0xa6: {  	s26 =	simm.s32 $execute0_lowered;
	[smem:$0x3FD2] =	sst s25  }
0xa7: {  	s6 =	sshll.u32 s26, $0x1;
	_ =	strace $0x80000046;
	[dreg:$0x1] =	wrdreg $0xFFFFFFFF  }
0xa8: {  	s28 =	simm.s32 $_size_execute0_lowered;
	s4 =	sadd.s32 s4, s6;
	[dreg:$0x0] =	wrdreg $0x0  }
0xa9: {  	s6 =	sshll.u32 s28, $0x1;
	[dreg:$0x2] =	wrdreg s4  }
0xaa: {  	[dreg:$0x3] =	wrdreg s6  }
0xab: {  	[dreg:$0x4] =	wrdreg $0xC0  }
0xac: {  	_ =	task [dreg:s8], $0x5FFFF  }
0xad: {  	[dreg:$0x1] =	wrdreg $0xFFFFFFFF  }
0xae: {  	[dreg:$0x0] =	wrdreg $0x60  }
0xaf: {  	[dreg:$0x2] =	wrdreg s2  }
0xb0: {  	[dreg:$0x3] =	wrdreg s18  }
0xb1: {  	[dreg:$0x4] =	wrdreg s24  }
0xb2: {  	[dreg:$0x5] =	wrdreg $0x9  }
0xb3: {  	_ =	task.clear_ibuf [dreg:s8], $0x6FFFF;
	_ =	strace $0x90000046  }
0xb4: {  	s29 =	simm.s32 $0x9;
	_ =	strace $0x80000048  }
0xb5: {  	_ =	swait.ge [sflag:s29], $0x1  }
0xb6: {  	[sflag:s29] =	ssyncadd.s32 $0xFFFFFFFF  }
0xb7: {  	_ =	strace $0x90000048  }
0xb8: {  	_ =	sfence  }
0xb9: {  	s30 =	sld [smem:$0x0];
	_ =	sdelay $0x2  }
0xba: {  	s31 =	sshll.u32 s1, $0xD;
	s1 =	sshrl.u32 s1, $0x2  }
0xbb: {  	s3 =	sand.u32 $0x4000, s31;
	s1 =	sadd.s32 s1, s30  }
0xbc: {  	s0 =	sor.u32 s3, s0;
	s1 =	sshll.u32 s1, $0x11  }
0xbd: {  	s0 =	sor.u32 s1, s0  }
0xbe: {  	s0 =	sadd.s32 $0x8F2B, s0  }
0xbf: {  	[sflag:s0] =	ssyncadd.remote.s32 $0x1  }
0xc0: {  	_ =	sfence.sel $0xFFFF  }
0xc1: {  	[dreg:$0x0] =	wrdreg $0xFFFFFFFF;
	(pc) =	sbr.abs _section_cstart, $3  }
0xc2: {  	[dreg:$0x1] =	wrdreg $0xFFFFFFFF  }
0xc3: {  	_ =	task.clear_ibuf [dreg:s8], $0x2FFFF;
	_ =	strace $0x9FFFFFFF  }
0xc4: {  	(tm) =	ssettm $0x7FFFFFFF  }
0xc5: {  	_ =	shalt  }
tec
execute0_lowered:
.L_overlay_start_1:
0x0: {  	(tag) =	ssettag $0x1  }
0x1: {  	s1 =	rddreg [dreg:$0x0]  }
0x2: {  	s6 =	rddreg [dreg:$0x1]  }
0x3: {  	s4 =	rddreg [dreg:$0x2]  }
0x4: {  	s0 =	rddreg [dreg:$0x3];
	s3 =	simm.s32 $0x0;
	s5 =	srdreg.scid  }
0x5: {  	s2 =	stileid.u32;
	s12 =	simm.s32 $0x1000;
	s13 =	simm.s32 $0x2000  }
0x6: {  	s14 =	simm.s32 $0x8;
	s15 =	simm.s32 $0x10;
	s16 =	simm.s32 $0x2080  }
0x7: {  	s17 =	simm.s32 $0x2;
	s18 =	simm.s32 $0x3;
	s19 =	simm.s32 $0x2100  }
0x8: {  	s20 =	simm.s32 $0x2180;
	s21 =	simm.s32 $0x1;
	s22 =	simm.s32 $0x2200  }
0x9: {  	s23 =	simm.s32 $0x4;
	s24 =	simm.s32 $0x5;
	s25 =	simm.s32 $0x6  }
0xa: {  	s26 =	simm.s32 $0x7;
	s5 =	sand.u32 $0x1, s5;
	s7 =	sshll.u32 s2, $0x1  }
0xb: {  	s28 =	simm.s32 $0x0;
	[smem:$0x7FF] =	sst s3;
	s7 =	sor.u32 s5, s7  }
0xc: {  	_ =	strace $0x80000047;
	s5 =	ssub.s32 $0x2, s5;
	s8 =	sshll.u32 s7, $0x1  }
0xd: {  	s7 =	sshll.u32 s7, $0xA;
	s9 =	sshrl.u32 s5, $0x1;
	s10 =	sadd.s32 s8, s4  }
0xe: {  	s4 =	sadd.s32 s1, s7;
	s11 =	ssub.s32 s5, s9;
	s6 =	sadd.s32 s6, s8  }
0xf: {  	s5 =	sadd.s32 $0x200, s4;
	s7 =	sadd.s32 $0x600, s10;
	s8 =	sadd.s32 $0x640, s10  }
0x10: {  	s9 =	sadd.s32 $0x680, s10;
	s10 =	sadd.s32 $0x6C0, s10;
	s11 =	smax.u32 s11, $0x1  }
.LBB2_1:
0x11: {  	[tilespmem:s3], [sflag:$0x2] =	stream.linear.gather [hbm4b:s4+s3], $0x1000, $0x38;
	[tilespmem:$0x2280] =	vst v63  }
0x12: {  	_ = 	snop  }
0x13: {  	[tilespmem:s12], [sflag:$0x3] =	stream.linear.gather [hbm4b:s5+s3], $0x1000, $0x38;
	[tilespmem:$0x2280] =	vst v63  }
0x14: {  	_ = 	snop  }
0x15: {  	[tilespmem:s13], [sflag:$0x8] =	stream.linear.gather [hbm4b:s6+s3], $0x10, $0x38;
	[tilespmem:$0x2280] =	vst v63  }
0x16: {  	_ =	swait.ge [sflag:s14], $0x10  }
0x17: {  	[sflag:s14] =	ssyncset.done $0x0  }
0x18: {  	[sflag:s14] =	ssyncadd.s32 $0xFFFFFFF0  }
0x19: {  	v0 =	vld [tilespmem:$0x2000];
	_ =	sdelay $0x4  }
0x1a: {  	v1 =	vshll.u32 v0, $0x3  }
0x1b: {  	v0 =	vand.u32 $0x7F, v0;
	v1 =	vand.u32 $0xFFFFFC00, v1  }
0x1c: {  	v0 =	vor.u32 v0, v1  }
0x1d: {  	[tilespmem:$0x2000] =	vst v0  }
0x1e: {  	[tilespmem:s16], [sflag:$0x1] =	stream.indirect.gather [hbm4b:s1+s15], $0x1, s13, s15, $0xb8;
	[tilespmem:$0x2280] =	vst v63  }
0x1f: {  	_ =	swait.ge [sflag:s17], $0x1000  }
0x20: {  	[sflag:s17] =	ssyncset.done $0x0  }
0x21: {  	s31 =	simm.s32 $0x0;
	[sflag:s17] =	ssyncadd.s32 $0xFFFFF000  }
0x22: {  	v0 =	vld [tilespmem:s31+$0xF0]  }
0x23: {  	v1 =	vld [tilespmem:s31+$0x0]  }
0x24: {  	v2 =	vld [tilespmem:s31+$0x10]  }
0x25: {  	v3 =	vld [tilespmem:s31+$0x20]  }
0x26: {  	v4 =	vld [tilespmem:s31+$0x30]  }
0x27: {  	v23 =	vimm.f32 $0.0e+00;
	v22 =	vimm.f32 $-3.402823470e+38;
	v5 =	vld [tilespmem:s31+$0x40]  }
0x28: {  	v25 =	vimm.f32 $-3.402823470e+38;
	v26 =	vimm.f32 $0.0e+00;
	v27 =	vimm.f32 $-3.402823470e+38;
	v6 =	vld [tilespmem:s31+$0x50]  }
0x29: {  	v28 =	vimm.f32 $0.0e+00;
	v29 =	vimm.f32 $-3.402823470e+38;
	v30 =	vimm.f32 $0.0e+00;
	v7 =	vld [tilespmem:s31+$0x60]  }
0x2a: {  	v31 =	vimm.f32 $-3.402823470e+38;
	v8 =	vld [tilespmem:s31+$0x70];
	v16 =	vadd.f32 v0, v23;
	v17 =	vmax.f32 v22, v0  }
0x2b: {  	v9 =	vld [tilespmem:s31+$0x80];
	v18 =	vadd.f32 v1, v23;
	v19 =	vmax.f32 v22, v1;
	v20 =	vadd.f32 v2, v23  }
0x2c: {  	v24 =	vld [tilespmem:s31+$0x90];
	v21 =	vmax.f32 v22, v2;
	v13 =	vadd.f32 v3, v23;
	v14 =	vmax.f32 v22, v3  }
0x2d: {  	v32 =	vld [tilespmem:s31+$0xA0];
	v15 =	vadd.f32 v4, v23;
	v10 =	vmax.f32 v22, v4;
	v11 =	vadd.f32 v5, v23  }
0x2e: {  	v33 =	vld [tilespmem:s31+$0xB0];
	v12 =	vmax.f32 v22, v5;
	v0 =	vadd.f32 v6, v23;
	v1 =	vmax.f32 v22, v6  }
0x2f: {  	v34 =	vld [tilespmem:s31+$0xC0];
	v2 =	vadd.f32 v7, v23;
	v3 =	vmax.f32 v22, v7;
	v4 =	vadd.f32 v8, v23  }
0x30: {  	v35 =	vld [tilespmem:s31+$0xD0];
	v5 =	vmax.f32 v22, v8;
	v6 =	vadd.f32 v9, v23;
	v7 =	vmax.f32 v22, v9  }
0x31: {  	s29 =	simm.s32 $0x100;
	s30 =	simm.s32 $0x800;
	v36 =	vld [tilespmem:s31+$0xE0];
	v8 =	vadd.f32 v24, v23;
	v9 =	vmax.f32 v22, v24;
	v24 =	vimm.f32 $0.0e+00  }
.LBB2_2:
0x32: {  	p0 =	sne.s32 s30, $0x3C00;
	v37 =	vld [tilespmem:s29+$0xF0];
	v23 =	vadd.f32 v32, v23;
	v22 =	vmax.f32 v22, v32  }
0x33: {  	v32 =	vld [tilespmem:s29+$0x0];
	v24 =	vadd.f32 v33, v24;
	v25 =	vmax.f32 v25, v33  }
0x34: {  	v33 =	vld [tilespmem:s29+$0x10];
	v26 =	vadd.f32 v34, v26;
	v27 =	vmax.f32 v27, v34  }
0x35: {  	v34 =	vld [tilespmem:s29+$0x20];
	v28 =	vadd.f32 v35, v28;
	v29 =	vmax.f32 v29, v35  }
0x36: {  	v35 =	vld [tilespmem:s29+$0x30];
	v30 =	vadd.f32 v36, v30;
	v31 =	vmax.f32 v31, v36  }
0x37: {  	v36 =	vld [tilespmem:s29+$0x40];
	v16 =	vadd.f32 v37, v16;
	v17 =	vmax.f32 v17, v37  }
0x38: {  	v18 =	vadd.f32 v32, v18;
	v19 =	vmax.f32 v19, v32;
	v32 =	vld [tilespmem:s29+$0x50]  }
0x39: {  	v20 =	vadd.f32 v33, v20;
	v21 =	vmax.f32 v21, v33;
	v33 =	vld [tilespmem:s29+$0x60]  }
0x3a: {  	v13 =	vadd.f32 v34, v13;
	v14 =	vmax.f32 v14, v34;
	v34 =	vld [tilespmem:s29+$0x70]  }
0x3b: {  	v15 =	vadd.f32 v35, v15;
	v10 =	vmax.f32 v10, v35;
	v35 =	vld [tilespmem:s29+$0x80]  }
0x3c: {  	v11 =	vadd.f32 v36, v11;
	v12 =	vmax.f32 v12, v36;
	v36 =	vld [tilespmem:s29+$0x90]  }
.Ltmp0:
0x3d: {  	v0 =	vadd.f32 v32, v0;
	v1 =	vmax.f32 v1, v32;
	v32 =	vld [tilespmem:s29+$0xA0];
	(pc) =	sbr.rel @p0 .LBB2_2-.Ltmp0, $4  }
0x3e: {  	v2 =	vadd.f32 v33, v2;
	v3 =	vmax.f32 v3, v33;
	v33 =	vld [tilespmem:s29+$0xB0]  }
0x3f: {  	v4 =	vadd.f32 v34, v4;
	v5 =	vmax.f32 v5, v34;
	v34 =	vld [tilespmem:s29+$0xC0]  }
0x40: {  	v6 =	vadd.f32 v35, v6;
	v7 =	vmax.f32 v7, v35;
	v35 =	vld [tilespmem:s29+$0xD0]  }
0x41: {  	v8 =	vadd.f32 v36, v8;
	v9 =	vmax.f32 v9, v36;
	v36 =	vld [tilespmem:s29+$0xE0];
	s29 =	sshra.s32 s30, $0x2;
	s30 =	sadd.s32 $0x400, s30  }
0x42: {  	v37 =	vld [tilespmem:s29+$0xF0]  }
0x43: {  	v38 =	vld [tilespmem:s29+$0x0]  }
0x44: {  	v39 =	vld [tilespmem:s29+$0x10]  }
0x45: {  	v40 =	vld [tilespmem:s29+$0x20]  }
0x46: {  	v41 =	vld [tilespmem:s29+$0x30]  }
0x47: {  	v42 =	vld [tilespmem:s29+$0x40]  }
0x48: {  	v43 =	vld [tilespmem:s29+$0x50]  }
0x49: {  	v44 =	vld [tilespmem:s29+$0x60]  }
0x4a: {  	v45 =	vld [tilespmem:s29+$0x70]  }
0x4b: {  	v46 =	vld [tilespmem:s29+$0x80]  }
0x4c: {  	v47 =	vld [tilespmem:s29+$0x90]  }
0x4d: {  	v48 =	vld [tilespmem:s29+$0xA0]  }
0x4e: {  	v49 =	vld [tilespmem:s29+$0xB0];
	v23 =	vadd.f32 v32, v23  }
0x4f: {  	v50 =	vld [tilespmem:s29+$0xC0];
	v22 =	vmax.f32 v22, v32;
	v24 =	vadd.f32 v33, v24;
	v25 =	vmax.f32 v25, v33  }
0x50: {  	v32 =	vld [tilespmem:s29+$0xD0];
	v26 =	vadd.f32 v34, v26;
	v27 =	vmax.f32 v27, v34;
	v28 =	vadd.f32 v35, v28  }
0x51: {  	v33 =	vld [tilespmem:s29+$0xE0];
	_ =	swait.ge [sflag:s18], $0x1000;
	v29 =	vmax.f32 v29, v35;
	v30 =	vadd.f32 v36, v30;
	v31 =	vmax.f32 v31, v36  }
0x52: {  	[sflag:s18] =	ssyncset.done $0x0;
	v16 =	vadd.f32 v37, v16;
	v17 =	vmax.f32 v17, v37;
	v18 =	vadd.f32 v38, v18  }
0x53: {  	s31 =	simm.s32 $0x0;
	[sflag:s18] =	ssyncadd.s32 $0xFFFFF000;
	v19 =	vmax.f32 v19, v38;
	v20 =	vadd.f32 v39, v20;
	v21 =	vmax.f32 v21, v39  }
0x54: {  	v62 =	vld [tilespmem:s31+$0x10F0];
	v13 =	vadd.f32 v40, v13;
	v14 =	vmax.f32 v14, v40;
	v15 =	vadd.f32 v41, v15  }
0x55: {  	v63 =	vld [tilespmem:s31+$0x1000];
	v35 =	vmax.f32 v10, v41;
	v36 =	vadd.f32 v42, v11;
	v12 =	vmax.f32 v12, v42  }
0x56: {  	v57 =	vld [tilespmem:s31+$0x1010];
	v38 =	vadd.f32 v43, v0;
	v39 =	vmax.f32 v1, v43;
	v56 =	vadd.f32 v44, v2  }
0x57: {  	v61 =	vld [tilespmem:s31+$0x1020];
	v58 =	vmax.f32 v3, v44;
	v59 =	vadd.f32 v45, v4;
	v60 =	vmax.f32 v5, v45  }
0x58: {  	v53 =	vld [tilespmem:s31+$0x1030];
	v51 =	vadd.f32 v46, v6;
	v46 =	vmax.f32 v7, v46;
	v52 =	vadd.f32 v47, v8  }
0x59: {  	v47 =	vmax.f32 v9, v47;
	v4 =	vadd.f32 v48, v23;
	v5 =	vmax.f32 v22, v48;
	v22 =	vld [tilespmem:s31+$0x1040]  }
0x5a: {  	v9 =	vadd.f32 v49, v24;
	v10 =	vmax.f32 v25, v49;
	v11 =	vadd.f32 v50, v26;
	v23 =	vld [tilespmem:s31+$0x1050]  }
0x5b: {  	v6 =	vmax.f32 v27, v50;
	v7 =	vadd.f32 v32, v28;
	v3 =	vmax.f32 v29, v32;
	v24 =	vld [tilespmem:s31+$0x1060]  }
0x5c: {  	v8 =	vadd.f32 v33, v30;
	v1 =	vmax.f32 v31, v33;
	v2 =	vadd.f32 v62, v16;
	v16 =	vld [tilespmem:s31+$0x1070]  }
0x5d: {  	v0 =	vmax.f32 v17, v62;
	v25 =	vadd.f32 v63, v18;
	v17 =	vmax.f32 v19, v63;
	v62 =	vld [tilespmem:s31+$0x1080]  }
0x5e: {  	v29 =	vadd.f32 v57, v20;
	v18 =	vmax.f32 v21, v57;
	v30 =	vadd.f32 v61, v13;
	v63 =	vld [tilespmem:s31+$0x1090]  }
0x5f: {  	v33 =	vld [tilespmem:s31+$0x10A0];
	v19 =	vmax.f32 v14, v61;
	v31 =	vadd.f32 v53, v15;
	v21 =	vmax.f32 v35, v53  }
0x60: {  	v34 =	vld [tilespmem:s31+$0x10B0];
	v32 =	vadd.f32 v22, v36;
	v15 =	vmax.f32 v12, v22;
	v28 =	vadd.f32 v23, v38  }
0x61: {  	v35 =	vld [tilespmem:s31+$0x10C0];
	v20 =	vmax.f32 v39, v23;
	v26 =	vadd.f32 v24, v56;
	v12 =	vmax.f32 v58, v24  }
0x62: {  	v36 =	vld [tilespmem:s31+$0x10D0];
	v27 =	vadd.f32 v16, v59;
	v14 =	vmax.f32 v60, v16;
	v24 =	vadd.f32 v62, v51  }
0x63: {  	s30 =	simm.s32 $0x800;
	s29 =	simm.s32 $0x100;
	v23 =	vld [tilespmem:s31+$0x10E0];
	v13 =	vmax.f32 v46, v62;
	v22 =	vadd.f32 v63, v52;
	v16 =	vmax.f32 v47, v63  }
.LBB2_4:
0x64: {  	p0 =	sne.s32 s30, $0x3C00;
	v37 =	vld [tilespmem:s29+$0x10F0];
	v4 =	vadd.f32 v33, v4;
	v5 =	vmax.f32 v5, v33  }
0x65: {  	v33 =	vld [tilespmem:s29+$0x1000];
	v9 =	vadd.f32 v34, v9;
	v10 =	vmax.f32 v10, v34  }
0x66: {  	v34 =	vld [tilespmem:s29+$0x1010];
	v11 =	vadd.f32 v35, v11;
	v6 =	vmax.f32 v6, v35  }
0x67: {  	v35 =	vld [tilespmem:s29+$0x1020];
	v7 =	vadd.f32 v36, v7;
	v3 =	vmax.f32 v3, v36  }
0x68: {  	v36 =	vld [tilespmem:s29+$0x1030];
	v8 =	vadd.f32 v23, v8;
	v1 =	vmax.f32 v1, v23  }
0x69: {  	v23 =	vld [tilespmem:s29+$0x1040];
	v2 =	vadd.f32 v37, v2;
	v0 =	vmax.f32 v0, v37  }
0x6a: {  	v25 =	vadd.f32 v33, v25;
	v17 =	vmax.f32 v17, v33;
	v33 =	vld [tilespmem:s29+$0x1050]  }
0x6b: {  	v29 =	vadd.f32 v34, v29;
	v18 =	vmax.f32 v18, v34;
	v34 =	vld [tilespmem:s29+$0x1060]  }
0x6c: {  	v30 =	vadd.f32 v35, v30;
	v19 =	vmax.f32 v19, v35;
	v35 =	vld [tilespmem:s29+$0x1070]  }
0x6d: {  	v31 =	vadd.f32 v36, v31;
	v21 =	vmax.f32 v21, v36;
	v36 =	vld [tilespmem:s29+$0x1080]  }
0x6e: {  	v32 =	vadd.f32 v23, v32;
	v15 =	vmax.f32 v15, v23;
	v23 =	vld [tilespmem:s29+$0x1090]  }
.Ltmp1:
0x6f: {  	v28 =	vadd.f32 v33, v28;
	v20 =	vmax.f32 v20, v33;
	v33 =	vld [tilespmem:s29+$0x10A0];
	(pc) =	sbr.rel @p0 .LBB2_4-.Ltmp1, $4  }
0x70: {  	v26 =	vadd.f32 v34, v26;
	v12 =	vmax.f32 v12, v34;
	v34 =	vld [tilespmem:s29+$0x10B0]  }
0x71: {  	v27 =	vadd.f32 v35, v27;
	v14 =	vmax.f32 v14, v35;
	v35 =	vld [tilespmem:s29+$0x10C0]  }
0x72: {  	v24 =	vadd.f32 v36, v24;
	v13 =	vmax.f32 v13, v36;
	v36 =	vld [tilespmem:s29+$0x10D0]  }
0x73: {  	v22 =	vadd.f32 v23, v22;
	v16 =	vmax.f32 v16, v23;
	v23 =	vld [tilespmem:s29+$0x10E0];
	s29 =	sshra.s32 s30, $0x2;
	s30 =	sadd.s32 $0x400, s30  }
0x74: {  	v37 =	vld [tilespmem:s29+$0x1000]  }
0x75: {  	v38 =	vld [tilespmem:s29+$0x1010];
	_ =	sdelay $0x1  }
0x76: {  	v39 =	vld [tilespmem:s29+$0x1020];
	_ =	sdelay $0x1  }
0x77: {  	v40 =	vld [tilespmem:s29+$0x1030]  }
0x78: {  	v25 =	vadd.f32 v37, v25;
	v29 =	vadd.f32 v38, v29  }
0x79: {  	v41 =	vld [tilespmem:s29+$0x1040]  }
0x7a: {  	v30 =	vadd.f32 v39, v30;
	v25 =	vadd.f32 v29, v25  }
0x7b: {  	v29 =	vld [tilespmem:s29+$0x1050]  }
0x7c: {  	v31 =	vadd.f32 v40, v31;
	v25 =	vadd.f32 v30, v25  }
0x7d: {  	v30 =	vld [tilespmem:s29+$0x1060]  }
0x7e: {  	v32 =	vadd.f32 v41, v32;
	v25 =	vadd.f32 v31, v25  }
0x7f: {  	v31 =	vld [tilespmem:s29+$0x1070]  }
0x80: {  	v28 =	vadd.f32 v29, v28;
	v25 =	vadd.f32 v32, v25  }
0x81: {  	v63 =	vld [tilespmem:s29+$0x1080]  }
0x82: {  	v26 =	vadd.f32 v30, v26;
	v25 =	vadd.f32 v28, v25;
	_ =	sdelay $0x1  }
0x83: {  	v27 =	vadd.f32 v31, v27;
	v25 =	vadd.f32 v26, v25;
	v26 =	vld [tilespmem:s29+$0x1090];
	_ =	sdelay $0x1  }
0x84: {  	v24 =	vadd.f32 v63, v24;
	v25 =	vadd.f32 v27, v25;
	v27 =	vld [tilespmem:s29+$0x10A0]  }
0x85: {  	v4 =	vadd.f32 v33, v4;
	v5 =	vmax.f32 v5, v33;
	v9 =	vadd.f32 v34, v9  }
0x86: {  	v10 =	vmax.f32 v10, v34;
	v11 =	vadd.f32 v35, v11;
	v24 =	vadd.f32 v24, v25;
	v25 =	vld [tilespmem:s29+$0x10B0]  }
0x87: {  	v6 =	vmax.f32 v6, v35;
	v7 =	vadd.f32 v36, v7;
	v22 =	vadd.f32 v26, v22  }
0x88: {  	v3 =	vmax.f32 v3, v36;
	v8 =	vadd.f32 v23, v8;
	v17 =	vmax.f32 v17, v37;
	v28 =	vld [tilespmem:s29+$0x10C0]  }
0x89: {  	v18 =	vmax.f32 v18, v38;
	v4 =	vadd.f32 v27, v4;
	v22 =	vadd.f32 v22, v24  }
0x8a: {  	v19 =	vmax.f32 v19, v39;
	v21 =	vmax.f32 v21, v40;
	v17 =	vmax.f32 v17, v18;
	v24 =	vld [tilespmem:s29+$0x10D0]  }
0x8b: {  	v17 =	vmax.f32 v17, v19;
	v19 =	vld [tilespmem:s29+$0x10E0];
	v9 =	vadd.f32 v25, v9;
	v4 =	vadd.f32 v4, v22  }
0x8c: {  	v15 =	vmax.f32 v15, v41;
	v17 =	vmax.f32 v17, v21;
	v18 =	vmax.f32 v20, v29  }
0x8d: {  	v20 =	vld [tilespmem:s29+$0x10F0];
	v11 =	vadd.f32 v28, v11;
	v4 =	vadd.f32 v9, v4;
	v9 =	vmax.f32 v17, v15  }
0x8e: {  	v12 =	vmax.f32 v12, v30;
	v14 =	vmax.f32 v14, v31;
	v9 =	vmax.f32 v9, v18  }
0x8f: {  	v7 =	vadd.f32 v24, v7;
	v4 =	vadd.f32 v11, v4;
	v9 =	vmax.f32 v9, v12  }
0x90: {  	v8 =	vadd.f32 v19, v8;
	v11 =	vmax.f32 v13, v63;
	v9 =	vmax.f32 v9, v14  }
0x91: {  	v12 =	vmax.f32 v16, v26;
	v4 =	vadd.f32 v7, v4;
	v7 =	vmax.f32 v9, v11  }
0x92: {  	v2 =	vadd.f32 v20, v2;
	v5 =	vmax.f32 v5, v27;
	v7 =	vmax.f32 v7, v12  }
0x93: {  	v9 =	vmax.f32 v10, v25;
	v4 =	vadd.f32 v8, v4;
	v5 =	vmax.f32 v7, v5  }
0x94: {  	v1 =	vmax.f32 v1, v23;
	v6 =	vmax.f32 v6, v28;
	v5 =	vmax.f32 v5, v9  }
0x95: {  	v3 =	vmax.f32 v3, v24;
	v2 =	vadd.f32 v2, v4;
	v4 =	vmax.f32 v5, v6  }
0x96: {  	v1 =	vmax.f32 v1, v19;
	v3 =	vmax.f32 v4, v3  }
0x97: {  	v0 =	vmax.f32 v0, v20;
	s29 =	simm.s32 $0x0;
	v1 =	vmax.f32 v3, v1;
	[tilespmem:$0x2100] =	vst v2  }
0x98: {  	v0 =	vmax.f32 v1, v0;
	[hbm4b:s7+s29] =	stream.linear.scatter [tilespmem:s19], [sflag:$0x4], $0x10, $0x38;
	[tilespmem:$0x2280] =	vst v63  }
0x99: {  	[tilespmem:$0x2180] =	vst v0  }
0x9a: {  	[hbm4b:s8+s29] =	stream.linear.scatter [tilespmem:s20], [sflag:$0x5], $0x10, $0x38;
	[tilespmem:$0x2280] =	vst v63  }
0x9b: {  	s29 =	simm.s32 $0x0  }
0x9c: {  	v1 =	vld [tilespmem:s29+$0x30]  }
0x9d: {  	v2 =	vld [tilespmem:s29+$0x40]  }
0x9e: {  	v3 =	vld [tilespmem:s29+$0x50]  }
0x9f: {  	v4 =	vld [tilespmem:s29+$0xA0]  }
0xa0: {  	v5 =	vld [tilespmem:s29+$0x10]  }
0xa1: {  	v6 =	vld [tilespmem:s29+$0x80]  }
0xa2: {  	v7 =	vld [tilespmem:s29+$0xF0]  }
0xa3: {  	v8 =	vld [tilespmem:s29+$0xD0];
	v1 =	vsub.f32 v1, v0  }
0xa4: {  	v9 =	vld [tilespmem:s29+$0x70];
	v2 =	vsub.f32 v2, v0  }
0xa5: {  	v10 =	vld [tilespmem:s29+$0xC0];
	v3 =	vsub.f32 v3, v0;
	v1 =	vmul.f32 $1.442695020e+00, v1  }
0xa6: {  	s30 =	simm.s32 $0x100;
	v11 =	vld [tilespmem:s29+$0xE0];
	v4 =	vsub.f32 v4, v0;
	v2 =	vmul.f32 $1.442695020e+00, v2  }
0xa7: {  	v20 =	vld [tilespmem:s30+$0xF0];
	v5 =	vsub.f32 v5, v0;
	v3 =	vmul.f32 $1.442695020e+00, v3;
	(erf) = vpow2.f32 v1  }
0xa8: {  	v1 =	vmul.f32 $1.442695020e+00, v4;
	v4 =	vld [tilespmem:s29+$0x90];
	(erf) = vpow2.f32 v2;
	v2 =	vsub.f32 v7, v0  }
0xa9: {  	(erf) = vpow2.f32 v3;
	v3 =	vmul.f32 $1.442695020e+00, v5;
	v5 =	vld [tilespmem:s29+$0x60]  }
0xaa: {  	(erf) = vpow2.f32 v1;
	v2 =	vmul.f32 $1.442695020e+00, v2  }
0xab: {  	v8 =	vsub.f32 v8, v0;
	v7 =	vld [tilespmem:s29+$0xB0];
	(erf) = vpow2.f32 v3;
	v3 =	vsub.f32 v6, v0  }
0xac: {  	v9 =	vsub.f32 v9, v0;
	v22 =	vsub.f32 v20, v0;
	v6 =	vld [tilespmem:s29+$0x20];
	(erf) = vpow2.f32 v2  }
0xad: {  	v2 =	vld [tilespmem:s29+$0x0];
	v4 =	vsub.f32 v4, v0;
	v12 =	vmul.f32 $1.442695020e+00, v3;
	v3 =	vsub.f32 v10, v0  }
0xae: {  	v23 =	vld [tilespmem:s30+$0xC0];
	v8 =	vmul.f32 $1.442695020e+00, v8;
	v10 =	vsub.f32 v11, v0;
	v5 =	vsub.f32 v5, v0  }
0xaf: {  	v9 =	vmul.f32 $1.442695020e+00, v9;
	v26 =	vmul.f32 $1.442695020e+00, v22;
	v1 =	vimm.f32 $0.0e+00;
	v11 =	vld [tilespmem:s30+$0x50]  }
0xb0: {  	v7 =	vsub.f32 v7, v0;
	v4 =	vmul.f32 $1.442695020e+00, v4;
	v10 =	vmul.f32 $1.442695020e+00, v10;
	v13 =	vpop (erf)  }
0xb1: {  	v15 =	vld [tilespmem:s30+$0x40];
	v14 =	vmul.f32 $1.442695020e+00, v3;
	v6 =	vsub.f32 v6, v0;
	v17 =	vmul.f32 $1.442695020e+00, v5;
	v16 =	vpop (erf)  }
0xb2: {  	v3 =	vadd.f32 v13, v1;
	v13 =	vld [tilespmem:s30+$0x30];
	v2 =	vsub.f32 v2, v0;
	v5 =	vpop (erf);
	(erf) = vpow2.f32 v12  }
0xb3: {  	v19 =	vld [tilespmem:s30+$0x80];
	v25 =	vsub.f32 v23, v0;
	v7 =	vmul.f32 $1.442695020e+00, v7;
	v12 =	vpop (erf);
	(erf) = vpow2.f32 v4  }
0xb4: {  	v18 =	vmul.f32 $1.442695020e+00, v6;
	v11 =	vsub.f32 v11, v0;
	v4 =	vpop (erf);
	(erf) = vpow2.f32 v8  }
0xb5: {  	v5 =	vadd.f32 v5, v1;
	v21 =	vmul.f32 $1.442695020e+00, v2;
	v8 =	vld [tilespmem:s30+$0xA0];
	(erf) = vpow2.f32 v9  }
0xb6: {  	v6 =	vadd.f32 v4, v1;
	v4 =	vadd.f32 v12, v1;
	v2 =	vpop (erf);
	v12 =	vld [tilespmem:s30+$0xD0];
	(erf) = vpow2.f32 v7  }
0xb7: {  	v9 =	vsub.f32 v15, v0;
	v15 =	vld [tilespmem:s30+$0x10];
	v13 =	vsub.f32 v13, v0;
	(erf) = vpow2.f32 v10  }
0xb8: {  	v11 =	vmul.f32 $1.442695020e+00, v11;
	v10 =	vld [tilespmem:s30+$0x70];
	(erf) = vpow2.f32 v14;
	v14 =	vsub.f32 v19, v0  }
0xb9: {  	v7 =	vadd.f32 v16, v1;
	v13 =	vmul.f32 $1.442695020e+00, v13;
	(erf) = vpow2.f32 v17  }
0xba: {  	v8 =	vsub.f32 v8, v0;
	(erf) = vpow2.f32 v18;
	v20 =	vmul.f32 $1.442695020e+00, v14;
	v14 =	vld [tilespmem:s30+$0xE0]  }
0xbb: {  	v16 =	vld [tilespmem:s30+$0x90];
	v9 =	vmul.f32 $1.442695020e+00, v9;
	v12 =	vsub.f32 v12, v0;
	(erf) = vpow2.f32 v21  }
0xbc: {  	v15 =	vsub.f32 v15, v0;
	v17 =	vpop (erf);
	v8 =	vmul.f32 $1.442695020e+00, v8;
	(erf) = vpow2.f32 v13  }
0xbd: {  	v19 =	vpop (erf);
	v10 =	vsub.f32 v10, v0;
	v22 =	vmul.f32 $1.442695020e+00, v12;
	(erf) = vpow2.f32 v9  }
0xbe: {  	v2 =	vadd.f32 v2, v1;
	v13 =	vld [tilespmem:s30+$0x60];
	v18 =	vpop (erf);
	(erf) = vpow2.f32 v11;
	v11 =	vmul.f32 $1.442695020e+00, v15  }
0xbf: {  	v9 =	vpop (erf);
	v23 =	vmul.f32 $1.442695020e+00, v10;
	v15 =	vimm.f32 $0.0e+00;
	v12 =	vsub.f32 v14, v0  }
0xc0: {  	v29 =	vld [tilespmem:s30+$0xB0];
	v10 =	vadd.f32 v9, v1;
	v9 =	vpop (erf);
	(erf) = vpow2.f32 v8;
	v14 =	vsub.f32 v16, v0  }
0xc1: {  	v28 =	vld [tilespmem:s30+$0x20];
	v16 =	vimm.f32 $0.0e+00;
	v9 =	vadd.f32 v9, v1;
	v8 =	vpop (erf);
	(erf) = vpow2.f32 v11  }
0xc2: {  	v8 =	vadd.f32 v8, v1;
	v24 =	vmul.f32 $1.442695020e+00, v12;
	(erf) = vpow2.f32 v26;
	v11 =	vpop (erf)  }
0xc3: {  	v30 =	vsub.f32 v13, v0;
	v26 =	vmul.f32 $1.442695020e+00, v14;
	v14 =	vimm.f32 $0.0e+00;
	v12 =	vpop (erf)  }
0xc4: {  	s29 =	simm.s32 $0x800;
	v21 =	vld [tilespmem:s30+$0x0];
	v11 =	vadd.f32 v11, v1;
	v13 =	vadd.f32 v12, v1;
	v27 =	vpop (erf);
	v12 =	vimm.f32 $0.0e+00  }
.LBB2_6:
0xc5: {  	s30 =	sshra.s32 s29, $0x2;
	p0 =	sne.s32 s29, $0x7C00;
	s29 =	sadd.s32 $0x400, s29;
	v29 =	vsub.f32 v29, v0;
	v25 =	vmul.f32 $1.442695020e+00, v25;
	v1 =	vadd.f32 v27, v1;
	v27 =	vpop (erf)  }
0xc6: {  	v31 =	vld [tilespmem:s30+$0x50];
	v28 =	vsub.f32 v28, v0;
	v30 =	vmul.f32 $1.442695020e+00, v30;
	v32 =	vpop (erf);
	v16 =	vadd.f32 v27, v16  }
0xc7: {  	v15 =	vadd.f32 v17, v15;
	v27 =	vld [tilespmem:s30+$0x40];
	v3 =	vadd.f32 v32, v3;
	v29 =	vmul.f32 $1.442695020e+00, v29;
	v32 =	vpop (erf)  }
0xc8: {  	v14 =	vadd.f32 v19, v14;
	v12 =	vadd.f32 v18, v12;
	v17 =	vld [tilespmem:s30+$0x30];
	v28 =	vmul.f32 $1.442695020e+00, v28;
	v33 =	vpop (erf)  }
0xc9: {  	v19 =	vsub.f32 v21, v0;
	v18 =	vld [tilespmem:s30+$0x80];
	v5 =	vadd.f32 v33, v5;
	(erf) = vpow2.f32 v20  }
0xca: {  	v20 =	vld [tilespmem:s30+$0xF0];
	(erf) = vpow2.f32 v26;
	v21 =	vpop (erf)  }
0xcb: {  	v19 =	vmul.f32 $1.442695020e+00, v19;
	v26 =	vsub.f32 v31, v0;
	v31 =	vld [tilespmem:s30+$0xD0];
	v33 =	vpop (erf);
	(erf) = vpow2.f32 v22  }
0xcc: {  	v4 =	vadd.f32 v21, v4;
	v22 =	vld [tilespmem:s30+$0xA0];
	v6 =	vadd.f32 v33, v6;
	(erf) = vpow2.f32 v23;
	v21 =	vpop (erf)  }
0xcd: {  	v27 =	vsub.f32 v27, v0;
	v23 =	vld [tilespmem:s30+$0x10];
	v2 =	vadd.f32 v21, v2;
	(erf) = vpow2.f32 v29  }
0xce: {  	v17 =	vsub.f32 v17, v0;
	v26 =	vmul.f32 $1.442695020e+00, v26;
	v21 =	vld [tilespmem:s30+$0x0];
	(erf) = vpow2.f32 v24  }
0xcf: {  	v24 =	vmul.f32 $1.442695020e+00, v27;
	v27 =	vld [tilespmem:s30+$0x70];
	v29 =	vsub.f32 v20, v0;
	(erf) = vpow2.f32 v25  }
0xd0: {  	v7 =	vadd.f32 v32, v7;
	v18 =	vsub.f32 v18, v0;
	v25 =	vld [tilespmem:s30+$0xC0];
	(erf) = vpow2.f32 v30  }
0xd1: {  	v30 =	vmul.f32 $1.442695020e+00, v17;
	v22 =	vsub.f32 v22, v0;
	(erf) = vpow2.f32 v28  }
0xd2: {  	v20 =	vmul.f32 $1.442695020e+00, v18;
	v28 =	vsub.f32 v31, v0;
	v31 =	vld [tilespmem:s30+$0xE0];
	(erf) = vpow2.f32 v19;
	v17 =	vpop (erf)  }
0xd3: {  	v33 =	vmul.f32 $1.442695020e+00, v29;
	v23 =	vsub.f32 v23, v0;
	v32 =	vld [tilespmem:s30+$0x90];
	(erf) = vpow2.f32 v30;
	v19 =	vpop (erf)  }
0xd4: {  	v30 =	vmul.f32 $1.442695020e+00, v22;
	v27 =	vsub.f32 v27, v0;
	(erf) = vpow2.f32 v24;
	v18 =	vpop (erf)  }
0xd5: {  	v22 =	vmul.f32 $1.442695020e+00, v28;
	v34 =	vld [tilespmem:s30+$0x60];
	v25 =	vsub.f32 v25, v0;
	(erf) = vpow2.f32 v26;
	v24 =	vpop (erf)  }
.Ltmp2:
0xd6: {  	v35 =	vmul.f32 $1.442695020e+00, v23;
	v23 =	vmul.f32 $1.442695020e+00, v27;
	v29 =	vld [tilespmem:s30+$0xB0];
	v10 =	vadd.f32 v24, v10;
	v24 =	vpop (erf);
	(pc) =	sbr.rel @p0 .LBB2_6-.Ltmp2, $4  }
0xd7: {  	v28 =	vld [tilespmem:s30+$0x20];
	v36 =	vsub.f32 v31, v0;
	(erf) = vpow2.f32 v30;
	v9 =	vadd.f32 v24, v9;
	v24 =	vpop (erf)  }
0xd8: {  	v31 =	vsub.f32 v32, v0;
	(erf) = vpow2.f32 v35;
	v8 =	vadd.f32 v24, v8;
	v26 =	vpop (erf)  }
0xd9: {  	v24 =	vmul.f32 $1.442695020e+00, v36;
	(erf) = vpow2.f32 v33;
	v11 =	vadd.f32 v26, v11;
	v27 =	vpop (erf)  }
0xda: {  	v30 =	vsub.f32 v34, v0;
	v26 =	vmul.f32 $1.442695020e+00, v31;
	v13 =	vadd.f32 v27, v13;
	v27 =	vpop (erf)  }
0xdb: {  	v29 =	vsub.f32 v29, v0;
	(erf) = vpow2.f32 v20  }
0xdc: {  	(erf) = vpow2.f32 v26  }
0xdd: {  	v61 =	vpop (erf);
	v62 =	vmul.f32 $1.442695020e+00, v29;
	(erf) = vpow2.f32 v22  }
0xde: {  	v63 =	vpop (erf);
	(erf) = vpow2.f32 v23  }
0xdf: {  	v35 =	vmul.f32 $1.442695020e+00, v25;
	v36 =	vsub.f32 v28, v0;
	v37 =	vpop (erf);
	(erf) = vpow2.f32 v62  }
0xe0: {  	v40 =	vsub.f32 v21, v0;
	v38 =	vmul.f32 $1.442695020e+00, v30;
	v39 =	vpop (erf);
	(erf) = vpow2.f32 v24  }
0xe1: {  	v41 =	vmul.f32 $1.442695020e+00, v36;
	v42 =	vpop (erf);
	(erf) = vpow2.f32 v35  }
0xe2: {  	v0 =	vmul.f32 $1.442695020e+00, v40;
	v43 =	vpop (erf);
	(erf) = vpow2.f32 v38  }
0xe3: {  	v44 =	vpop (erf);
	(erf) = vpow2.f32 v41  }
0xe4: {  	(erf) = vpow2.f32 v0;
	v45 =	vpop (erf)  }
0xe5: {  	v46 =	vpop (erf)  }
0xe6: {  	v47 =	vpop (erf)  }
0xe7: {  	v48 =	vpop (erf)  }
0xe8: {  	v31 =	vpop (erf)  }
0xe9: {  	v32 =	vpop (erf)  }
0xea: {  	v33 =	vpop (erf)  }
0xeb: {  	v34 =	vpop (erf)  }
0xec: {  	v16 =	vadd.f32 v61, v16;
	v49 =	vpop (erf)  }
0xed: {  	v1 =	vadd.f32 v27, v1;
	v50 =	vpop (erf)  }
0xee: {  	v6 =	vadd.f32 v43, v6;
	v16 =	vadd.f32 v50, v16;
	_ =	sdelay $0x1  }
0xef: {  	v1 =	vadd.f32 v49, v1;
	v6 =	vadd.f32 v6, v16;
	_ =	sdelay $0x1  }
0xf0: {  	v3 =	vadd.f32 v63, v3;
	v1 =	vadd.f32 v1, v6;
	_ =	sdelay $0x1  }
0xf1: {  	v51 =	vadd.f32 v37, v7;
	v1 =	vadd.f32 v3, v1;
	_ =	sdelay $0x1  }
0xf2: {  	v52 =	vadd.f32 v39, v5;
	v1 =	vadd.f32 v51, v1;
	_ =	sdelay $0x1  }
0xf3: {  	v53 =	vadd.f32 v34, v13;
	v1 =	vadd.f32 v52, v1  }
0xf4: {  	v54 =	vadd.f32 v17, v15  }
0xf5: {  	v55 =	vadd.f32 v48, v10;
	v1 =	vadd.f32 v53, v1  }
0xf6: {  	v56 =	vadd.f32 v19, v14  }
0xf7: {  	v0 =	vadd.f32 v45, v54;
	v1 =	vadd.f32 v55, v1;
	_ =	sdelay $0x1  }
0xf8: {  	v57 =	vadd.f32 v46, v56;
	v0 =	vadd.f32 v0, v1;
	_ =	sdelay $0x1  }
0xf9: {  	v58 =	vadd.f32 v42, v4;
	v0 =	vadd.f32 v57, v0;
	_ =	sdelay $0x1  }
0xfa: {  	v59 =	vadd.f32 v31, v9;
	v0 =	vadd.f32 v58, v0  }
0xfb: {  	v60 =	vadd.f32 v18, v12  }
0xfc: {  	v61 =	vadd.f32 v33, v11;
	v0 =	vadd.f32 v59, v0;
	_ =	sdelay $0x1  }
0xfd: {  	v1 =	vadd.f32 v47, v60;
	v0 =	vadd.f32 v61, v0;
	_ =	sdelay $0x1  }
0xfe: {  	v62 =	vadd.f32 v32, v8;
	v0 =	vadd.f32 v1, v0;
	_ =	sdelay $0x1  }
0xff: {  	v63 =	vadd.f32 v44, v2;
	v0 =	vadd.f32 v62, v0  }
0x100: {  	_ =	swait.ge [sflag:s21], $0x10  }
0x101: {  	[sflag:s21] =	ssyncset.done $0x0;
	v0 =	vadd.f32 v63, v0  }
0x102: {  	[sflag:s21] =	ssyncadd.s32 $0xFFFFFFF0  }
0x103: {  	[tilespmem:$0x2200] =	vst v0  }
0x104: {  	[hbm4b:s9+s3] =	stream.linear.scatter [tilespmem:s22], [sflag:$0x6], $0x10, $0x38;
	[tilespmem:$0x2280] =	vst v63  }
0x105: {  	_ = 	snop  }
0x106: {  	[hbm4b:s10+s3] =	stream.linear.scatter [tilespmem:s16], [sflag:$0x7], $0x10, $0x38;
	[tilespmem:$0x2280] =	vst v63  }
0x107: {  	_ =	swait.ge [sflag:s23], $0x10  }
0x108: {  	[sflag:s23] =	ssyncset.done $0x0  }
0x109: {  	[sflag:s23] =	ssyncadd.s32 $0xFFFFFFF0  }
0x10a: {  	_ =	swait.ge [sflag:s24], $0x10  }
0x10b: {  	[sflag:s24] =	ssyncset.done $0x0  }
0x10c: {  	s28 =	sadd.s32 $0x1, s28;
	[sflag:s24] =	ssyncadd.s32 $0xFFFFFFF0  }
0x10d: {  	p0 =	sne.s32 s28, s11;
	_ =	swait.ge [sflag:s25], $0x10  }
.Ltmp3:
0x10e: {  	[sflag:s25] =	ssyncset.done $0x0;
	(pc) =	sbr.rel @p0 .LBB2_1-.Ltmp3, $4  }
0x10f: {  	[sflag:s25] =	ssyncadd.s32 $0xFFFFFFF0  }
0x110: {  	_ =	swait.ge [sflag:s26], $0x10  }
0x111: {  	[sflag:s26] =	ssyncset.done $0x0  }
0x112: {  	[sflag:s26] =	ssyncadd.s32 $0xFFFFFFF0  }
0x113: {  	_ =	sfence.sel $0x180000  }
0x114: {  	[bflag:$0x0] =	sbarrier.arrive $0xFFFF  }
0x115: {  	p0 =	sne.s32 s2, $0x0;
	_ =	strace $0x90000047  }
0x116: {  	s0 =	sadd.s32 @!p0 $0x100000, s0;
	[bflag:$0x2] =	sbarrier.arrive $0xFFFF  }
0x117: {  	[sflag:s0] =	ssyncadd.tile.s32 @!p0 $0x1;
	_ =	shalt  }
.Lfunc_end2:
_tile_overlayer_lowered:
.L_overlay_start_2:
0x118: {  	(tag) =	ssettag $0x2  }
0x119: {  	s0 =	rddreg [dreg:$0x0];
	s2 =	stileid.u32  }
0x11a: {  	s1 =	rddreg [dreg:$0x1];
	p0 =	sne.s32 s2, $0x0  }
0x11b: {  	s3 =	rddreg [dreg:$0x2];
	[bflag:$0x3] =	sbarrier.arrive $0xFFFF;
	s2 =	simm.s32 @!p0 $0x1C08  }
0x11c: {  	[timem:s3], [sflag:s2] =	dma.local @!p0 [hbm:s0], s1  }
0x11d: {  	s0 =	simm.s32 @!p0 $0x8  }
0x11e: {  	_ =	swait.ge @!p0 [sflag:s0], s1  }
0x11f: {  	s1 =	ssub.s32 @!p0 $0x0, s1;
	[sflag:s0] =	ssyncset.done @!p0 $0x0  }
0x120: {  	[sflag:s0] =	ssyncadd.s32 @!p0 s1  }
0x121: {  	[bflag:$0x3] =	sbarrier.arrive $0xFFFF  }
0x122: {  	_ =	shalt  }

</sc_bundles>
